<compile_context>
chip_gen: v7x
topology: tpu7x:2x2x1
jax: 0.10.2.dev20260603
libtpu: 0.0.44.dev20260713+nightly
codegen_flags: <defaults>
</compile_context>

<pallas_src>
import functools

import jax
import jax.numpy as jnp
from jax import lax
from jax.experimental import pallas as pl
from jax.experimental.pallas import tpu as pltpu
from jax.experimental.pallas import tpu_sc as plsc

_NC = 2
_NS = 16
_CHUNK = 80


def _make_sc_scatter_add(n_pad, n_edges, dim):
    epw = n_edges // (_NC * _NS)
    n_chunks = epw // _CHUNK
    rows_per_sub = n_pad // _NS
    zrows = _CHUNK
    n_zero_iters = rows_per_sub // zrows
    mesh = plsc.VectorSubcoreMesh(core_axis_name="c", subcore_axis_name="s")

    @functools.partial(
        pl.kernel,
        out_type=jax.ShapeDtypeStruct((_NC, n_pad, dim), jnp.float32),
        mesh=mesh,
        scratch_types=[
            pltpu.VMEM((epw,), jnp.int32),
            pltpu.VMEM((_CHUNK,), jnp.int32),
            pltpu.VMEM((_CHUNK,), jnp.int32),
            pltpu.VMEM((_CHUNK,), jnp.int32),
            pltpu.VMEM((_CHUNK, dim), jnp.float32),
            pltpu.VMEM((_CHUNK, dim), jnp.float32),
            pltpu.VMEM((_CHUNK, dim), jnp.float32),
            pltpu.VMEM_SHARED((n_pad, dim), jnp.float32),
            pltpu.SemaphoreType.DMA,
            pltpu.SemaphoreType.DMA,
            pltpu.SemaphoreType.DMA,
            pltpu.SemaphoreType.DMA,
            pltpu.SemaphoreType.DMA,
            pltpu.SemaphoreType.DMA,
            pltpu.SemaphoreType.DMA,
            pltpu.SemaphoreType.DMA,
            pltpu.SemaphoreType.DMA,
            pltpu.SemaphoreType.DMA,
        ],
    )
    def k(h_hbm, ei_hbm, out_hbm, src_v, dst_a, dst_b, dst_c,
          rows_a, rows_b, rows_c, acc_sh,
          sem_i, sem_ga, sem_gb, sem_gc, sem_da, sem_db, sem_dc,
          sem_sa, sem_sb, sem_sc):
        c = lax.axis_index("c")
        s = lax.axis_index("s")
        wid = c * _NS + s
        base0 = wid * epw

        dst_bufs = (dst_a, dst_b, dst_c)
        rows_bufs = (rows_a, rows_b, rows_c)
        gsems = (sem_ga, sem_gb, sem_gc)
        dsems = (sem_da, sem_db, sem_dc)
        ssems = (sem_sa, sem_sb, sem_sc)

        def src_idx(t):
            return src_v.at[pl.ds(pl.multiple_of(t * _CHUNK, 8), _CHUNK)]

        def dst_desc(t, j):
            return pltpu.make_async_copy(
                ei_hbm.at[pl.ds(pl.multiple_of(n_edges + base0 + t * _CHUNK, 8), _CHUNK)],
                dst_bufs[j], dsems[j])

        def gather_desc(t, j):
            return pltpu.make_async_copy(h_hbm.at[src_idx(t)], rows_bufs[j], gsems[j])

        cp_src = pltpu.async_copy(ei_hbm.at[pl.ds(wid * epw, epw)], src_v, sem_i)
        dst_desc(0, 0).start()
        dst_desc(1, 1).start()
        dst_desc(2, 2).start()

        zvec = jnp.zeros((1, 16), jnp.float32)

        @pl.loop(0, _CHUNK)
        def _(r):
            @pl.loop(0, dim, step=16)
            def _(j):
                rows_a.at[pl.ds(r, 1), pl.ds(j, 16)][...] = zvec

        @pl.loop(0, n_zero_iters)
        def _(z):
            pltpu.sync_copy(rows_a, acc_sh.at[pl.ds(s * rows_per_sub + z * zrows, zrows)])

        cp_src.wait()
        plsc.subcore_barrier()

        class _Scat:
            def __init__(self, j):
                self.j = j

            def start(self):
                pltpu.async_copy(rows_bufs[self.j], acc_sh.at[dst_bufs[self.j]],
                                 ssems[self.j], add=True)

            def wait(self):
                pltpu.make_async_copy(rows_bufs[self.j], acc_sh.at[dst_bufs[self.j]],
                                      ssems[self.j]).wait()

        def scat_desc(j):
            return _Scat(j)

        gather_desc(0, 0).start()
        gather_desc(1, 1).start()
        gather_desc(2, 2).start()

        def step(t, j, reuse):
            if reuse:
                jp = (j + 2) % 3
                scat_desc(jp).wait()
                dst_desc(t + 2, jp).start()
                gather_desc(t + 2, jp).start()
            gather_desc(t, j).wait()
            dst_desc(t, j).wait()
            scat_desc(j).start()

        step(0, 0, False)

        @pl.loop(0, (n_chunks - 5) // 3)
        def _(kk):
            t = 3 * kk
            step(t + 1, 1, True)
            step(t + 2, 2, True)
            step(t + 3, 0, True)

        step(n_chunks - 4, (n_chunks - 4) % 3, True)
        step(n_chunks - 3, (n_chunks - 3) % 3, True)
        step(n_chunks - 2, (n_chunks - 2) % 3, False)
        step(n_chunks - 1, (n_chunks - 1) % 3, False)

        scat_desc((n_chunks - 3) % 3).wait()
        scat_desc((n_chunks - 2) % 3).wait()
        scat_desc((n_chunks - 1) % 3).wait()

        plsc.subcore_barrier()

        pltpu.sync_copy(
            acc_sh.at[pl.ds(s * rows_per_sub, rows_per_sub)],
            out_hbm.at[c, pl.ds(s * rows_per_sub, rows_per_sub)],
        )

    return k


def _mlp1_body(x_ref, agg_ref, W1_ref, b1_ref, W2_ref, b2_ref, o_ref):
    z = x_ref[...] + agg_ref[0] + agg_ref[1]
    t = jnp.dot(z, W1_ref[...], preferred_element_type=jnp.float32) + b1_ref[...]
    t = jnp.maximum(t, 0.0)
    h = jnp.dot(t, W2_ref[...], preferred_element_type=jnp.float32) + b2_ref[...]
    o_ref[...] = jnp.maximum(h, 0.0)


def _mlp2_pool_body(batch_ref, h_ref, agg_ref, W1_ref, b1_ref, W2_ref, b2_ref,
                    Wlin_ref, blin_ref, o_ref, acc_ref, cnt_ref):
    i = pl.program_id(0)
    g, r = acc_ref.shape[0], h_ref.shape[0]

    @pl.when(i == 0)
    def _():
        acc_ref[...] = jnp.zeros_like(acc_ref)
        cnt_ref[...] = jnp.zeros_like(cnt_ref)

    z = h_ref[...] + agg_ref[0] + agg_ref[1]
    t = jnp.dot(z, W1_ref[...], preferred_element_type=jnp.float32) + b1_ref[...]
    t = jnp.maximum(t, 0.0)
    h2 = jnp.dot(t, W2_ref[...], preferred_element_type=jnp.float32) + b2_ref[...]

    b = batch_ref[0, 0, :]
    gids = lax.broadcasted_iota(jnp.int32, (g, r), 0)
    m = (gids == b[None, :]).astype(jnp.float32)
    acc_ref[...] += jnp.dot(m, h2, preferred_element_type=jnp.float32)
    cnt_ref[...] += jnp.sum(m, axis=1, keepdims=True)

    @pl.when(i == pl.num_programs(0) - 1)
    def _():
        pooled = acc_ref[...] / jnp.maximum(cnt_ref[...], 1.0)
        o_ref[...] = (jnp.dot(pooled, Wlin_ref[...], preferred_element_type=jnp.float32)
                      + blin_ref[...])


def kernel(x, edge_index, batch, W1a, b1a, W2a, b2a, W1b, b1b, W2b, b2b, Wlin, blin):
    n, d = x.shape
    e = edge_index.shape[1]
    g = 128
    o_dim = Wlin.shape[1]
    r = 1000
    n_blocks = n // r

    ei_flat = edge_index.reshape(-1)
    unit = _CHUNK * _NS
    n_pad = ((n + unit - 1) // unit) * unit
    sc_scatter = _make_sc_scatter_add(n_pad, e, d)

    b1a_r, b2a_r = b1a.reshape(1, d), b2a.reshape(1, d)
    b1b_r, b2b_r = b1b.reshape(1, d), b2b.reshape(1, d)
    blin_r = blin.reshape(1, o_dim)
    batch_r = batch.reshape(n_blocks, 1, r)

    agg1 = sc_scatter(x, ei_flat)

    h1 = pl.pallas_call(
        _mlp1_body,
        grid=(n_blocks,),
        in_specs=[
            pl.BlockSpec((r, d), lambda i: (i, 0)),
            pl.BlockSpec((_NC, r, d), lambda i: (0, i, 0)),
            pl.BlockSpec((d, d), lambda i: (0, 0)),
            pl.BlockSpec((1, d), lambda i: (0, 0)),
            pl.BlockSpec((d, d), lambda i: (0, 0)),
            pl.BlockSpec((1, d), lambda i: (0, 0)),
        ],
        out_specs=pl.BlockSpec((r, d), lambda i: (i, 0)),
        out_shape=jax.ShapeDtypeStruct((n, d), jnp.float32),
    )(x, agg1, W1a, b1a_r, W2a, b2a_r)

    agg2 = sc_scatter(h1, ei_flat)

    out = pl.pallas_call(
        _mlp2_pool_body,
        grid=(n_blocks,),
        in_specs=[
            pl.BlockSpec((1, 1, r), lambda i: (i, 0, 0)),
            pl.BlockSpec((r, d), lambda i: (i, 0)),
            pl.BlockSpec((_NC, r, d), lambda i: (0, i, 0)),
            pl.BlockSpec((d, d), lambda i: (0, 0)),
            pl.BlockSpec((1, d), lambda i: (0, 0)),
            pl.BlockSpec((d, d), lambda i: (0, 0)),
            pl.BlockSpec((1, d), lambda i: (0, 0)),
            pl.BlockSpec((d, o_dim), lambda i: (0, 0)),
            pl.BlockSpec((1, o_dim), lambda i: (0, 0)),
        ],
        out_specs=pl.BlockSpec((g, o_dim), lambda i: (0, 0)),
        out_shape=jax.ShapeDtypeStruct((g, o_dim), jnp.float32),
        scratch_shapes=[
            pltpu.VMEM((g, d), jnp.float32),
            pltpu.VMEM((g, 1), jnp.float32),
        ],
    )(batch_r, h1, agg2, W1b, b1b_r, W2b, b2b_r, Wlin, blin_r)

    return out

# --- scband reference (transcript-rebuilt; emitter-appended) ---
"""Pipeline reference for scband-gcn-67731634258537 (READ-ONLY COPY).

The authoritative reference and input builder live on the scoring server;
editing this copy changes nothing except your own understanding.
"""

import jax, jax.numpy as jnp
import numpy as np

N = 10000
E = 320000
D = 128
H = 128
O = 10
G = 128


def setup_inputs(seed: int = 0) -> dict:
    key = jax.random.key(seed)
    ks = jax.random.split(key, 13)
    scale = 0.05
    x = jax.random.normal(ks[0], (N, D), dtype=jnp.float32)
    edge_index = jax.random.randint(ks[1], (2, E), 0, N, dtype=jnp.int32)
    batch = jnp.sort(jax.random.randint(ks[2], (N,), 0, G, dtype=jnp.int32))
    W1a = jax.random.normal(ks[3], (D, H), dtype=jnp.float32) * scale
    b1a = jnp.zeros((H,), dtype=jnp.float32)
    W2a = jax.random.normal(ks[4], (H, H), dtype=jnp.float32) * scale
    b2a = jnp.zeros((H,), dtype=jnp.float32)
    W1b = jax.random.normal(ks[5], (H, H), dtype=jnp.float32) * scale
    b1b = jnp.zeros((H,), dtype=jnp.float32)
    W2b = jax.random.normal(ks[6], (H, H), dtype=jnp.float32) * scale
    b2b = jnp.zeros((H,), dtype=jnp.float32)
    Wlin = jax.random.normal(ks[7], (H, O), dtype=jnp.float32) * scale
    blin = jnp.zeros((O,), dtype=jnp.float32)
    return {"x": x, "edge_index": edge_index, "batch": batch,
            "W1a": W1a, "b1a": b1a, "W2a": W2a, "b2a": b2a,
            "W1b": W1b, "b1b": b1b, "W2b": W2b, "b2b": b2b,
            "Wlin": Wlin, "blin": blin}


def _gin_conv(h, src, dst, W1, b1, W2, b2):
    # GINConv with eps=0: out = MLP((1+eps)*h + sum_{j in N(i)} h_j)
    agg = jnp.zeros_like(h).at[dst].add(h[src])
    z = h + agg
    z = jax.nn.relu(z @ W1 + b1)
    z = z @ W2 + b2
    return z


def reference(x, edge_index, batch, W1a, b1a, W2a, b2a, W1b, b1b, W2b, b2b, Wlin, blin):
    src = edge_index[0]
    dst = edge_index[1]
    h = _gin_conv(x, src, dst, W1a, b1a, W2a, b2a)
    h = jax.nn.relu(h)
    h = _gin_conv(h, src, dst, W1b, b1b, W2b, b2b)
    # global_mean_pool over graph ids in `batch`
    sums = jax.ops.segment_sum(h, batch, num_segments=G)
    counts = jax.ops.segment_sum(jnp.ones((h.shape[0], 1), dtype=h.dtype), batch, num_segments=G)
    pooled = sums / jnp.maximum(counts, 1.0)
    # dropout p=0.1 is identity in eval mode
    out = pooled @ Wlin + blin
    return out

if __name__ == "__main__":
    import jax
    _d = setup_inputs()
    print(jax.jit(kernel)(*tuple(_d.values())))

</pallas_src>

<mosaic_0001>
#map = affine_map<(d0, d1) -> (0, 0)>
#map1 = affine_map<(d0, d1) -> (0)>
#map2 = affine_map<(d0, d1) -> (0, 0, 0)>
module attributes {stable_mosaic.version = 14 : i64} {
  func.func @k(%arg0: i32, %arg1: i32, %arg2: memref<10000x128xf32, #tpu.memory_space<hbm>>, %arg3: memref<640000xi32, #tpu.memory_space<hbm>>, %arg4: memref<2x10240x128xf32, #tpu.memory_space<hbm>>, %arg5: memref<10000xi32, #tpu.memory_space<vmem>>, %arg6: memref<80xi32, #tpu.memory_space<vmem>>, %arg7: memref<80xi32, #tpu.memory_space<vmem>>, %arg8: memref<80xi32, #tpu.memory_space<vmem>>, %arg9: memref<80x128xf32, #tpu.memory_space<vmem>>, %arg10: memref<80x128xf32, #tpu.memory_space<vmem>>, %arg11: memref<80x128xf32, #tpu.memory_space<vmem>>, %arg12: memref<10240x128xf32, #tpu.memory_space<vmem_shared>>, %arg13: memref<!tpu.dma_semaphore, #tpu.memory_space<semaphore_mem>>, %arg14: memref<!tpu.dma_semaphore, #tpu.memory_space<semaphore_mem>>, %arg15: memref<!tpu.dma_semaphore, #tpu.memory_space<semaphore_mem>>, %arg16: memref<!tpu.dma_semaphore, #tpu.memory_space<semaphore_mem>>, %arg17: memref<!tpu.dma_semaphore, #tpu.memory_space<semaphore_mem>>, %arg18: memref<!tpu.dma_semaphore, #tpu.memory_space<semaphore_mem>>, %arg19: memref<!tpu.dma_semaphore, #tpu.memory_space<semaphore_mem>>, %arg20: memref<!tpu.dma_semaphore, #tpu.memory_space<semaphore_mem>>, %arg21: memref<!tpu.dma_semaphore, #tpu.memory_space<semaphore_mem>>, %arg22: memref<!tpu.dma_semaphore, #tpu.memory_space<semaphore_mem>>) attributes {dimension_semantics = [#tpu.dimension_semantics<core_parallel>, #tpu.dimension_semantics<subcore_parallel>], iteration_bounds = array<i64: 2, 16>, scalar_prefetch = 0 : i64, scratch_operands = 18 : i64, tpu.core_type = #tpu.core_type<sc_vector_subcore>, window_params = [{transform_indices = #map}, {transform_indices = #map1}, {transform_indices = #map2}]} {
    %mul3A = arith.constant 16 : i32
    %mul3A_0 = arith.muli %arg0, %mul3A : i32
    %add3A = arith.addi %mul3A_0, %arg1 : i32
    %mul3A_1 = arith.constant 10000 : i32
    %mul3A_2 = arith.muli %add3A, %mul3A_1 : i32
    %mul3A_3 = arith.constant 10000 : i32
    %mul3A_4 = arith.muli %add3A, %mul3A_3 : i32
    %dma_start3A = tpu.memref_slice %arg3[%mul3A_4] : memref<640000xi32, #tpu.memory_space<hbm>> -> memref<10000xi32, #tpu.memory_space<hbm>>
    %dma_start3A_5 = tpu.memref_slice %arg3[%mul3A_4] : memref<640000xi32, #tpu.memory_space<hbm>> -> memref<10000xi32, #tpu.memory_space<hbm>>
    tpu.enqueue_dma source(%dma_start3A_5 : memref<10000xi32, #tpu.memory_space<hbm>>) target(%arg5 : memref<10000xi32, #tpu.memory_space<vmem>>) target_semaphore(%arg13 : memref<!tpu.dma_semaphore, #tpu.memory_space<semaphore_mem>>)
    %add3A_6 = arith.constant 320000 : i32
    %add3A_7 = arith.addi %add3A_6, %mul3A_2 : i32
    %add3A_8 = arith.constant 0 : i32
    %add3A_9 = arith.addi %add3A_7, %add3A_8 : i32
    %multiple_of3A = tpu.assume_multiple %add3A_9, 8 : i32
    %dma_start3A_10 = tpu.memref_slice %arg3[%multiple_of3A] : memref<640000xi32, #tpu.memory_space<hbm>> -> memref<80xi32, #tpu.memory_space<hbm>>
    %dma_start3A_11 = tpu.memref_slice %arg3[%multiple_of3A] : memref<640000xi32, #tpu.memory_space<hbm>> -> memref<80xi32, #tpu.memory_space<hbm>>
    tpu.enqueue_dma source(%dma_start3A_11 : memref<80xi32, #tpu.memory_space<hbm>>) target(%arg6 : memref<80xi32, #tpu.memory_space<vmem>>) target_semaphore(%arg17 : memref<!tpu.dma_semaphore, #tpu.memory_space<semaphore_mem>>)
    %add3A_12 = arith.constant 320000 : i32
    %add3A_13 = arith.addi %add3A_12, %mul3A_2 : i32
    %add3A_14 = arith.constant 80 : i32
    %add3A_15 = arith.addi %add3A_13, %add3A_14 : i32
    %multiple_of3A_16 = tpu.assume_multiple %add3A_15, 8 : i32
    %dma_start3A_17 = tpu.memref_slice %arg3[%multiple_of3A_16] : memref<640000xi32, #tpu.memory_space<hbm>> -> memref<80xi32, #tpu.memory_space<hbm>>
    %dma_start3A_18 = tpu.memref_slice %arg3[%multiple_of3A_16] : memref<640000xi32, #tpu.memory_space<hbm>> -> memref<80xi32, #tpu.memory_space<hbm>>
    tpu.enqueue_dma source(%dma_start3A_18 : memref<80xi32, #tpu.memory_space<hbm>>) target(%arg7 : memref<80xi32, #tpu.memory_space<vmem>>) target_semaphore(%arg18 : memref<!tpu.dma_semaphore, #tpu.memory_space<semaphore_mem>>)
    %add3A_19 = arith.constant 320000 : i32
    %add3A_20 = arith.addi %add3A_19, %mul3A_2 : i32
    %add3A_21 = arith.constant 160 : i32
    %add3A_22 = arith.addi %add3A_20, %add3A_21 : i32
    %multiple_of3A_23 = tpu.assume_multiple %add3A_22, 8 : i32
    %dma_start3A_24 = tpu.memref_slice %arg3[%multiple_of3A_23] : memref<640000xi32, #tpu.memory_space<hbm>> -> memref<80xi32, #tpu.memory_space<hbm>>
    %dma_start3A_25 = tpu.memref_slice %arg3[%multiple_of3A_23] : memref<640000xi32, #tpu.memory_space<hbm>> -> memref<80xi32, #tpu.memory_space<hbm>>
    tpu.enqueue_dma source(%dma_start3A_25 : memref<80xi32, #tpu.memory_space<hbm>>) target(%arg8 : memref<80xi32, #tpu.memory_space<vmem>>) target_semaphore(%arg19 : memref<!tpu.dma_semaphore, #tpu.memory_space<semaphore_mem>>)
    %broadcast_in_dim3A = arith.constant 0.000000e+00 : f32
    %broadcast_in_dim3A_26 = vector.broadcast %broadcast_in_dim3A : f32 to vector<1x16xf32>
    %scan3A = arith.constant 0 : i32
    %scan3A_27 = arith.constant 80 : i32
    %scan3A_28 = arith.addi %scan3A, %scan3A_27 : i32
    %scan3A_29 = arith.constant 1 : i32
    scf.for %scan3A_186 = %scan3A to %scan3A_28 step %scan3A_29  : i32 {
      %mul3A_187 = arith.constant 1 : i32
      %mul3A_188 = arith.muli %scan3A_186, %mul3A_187 : i32
      %add3A_189 = arith.constant 0 : i32
      %add3A_190 = arith.addi %add3A_189, %mul3A_188 : i32
      %scan3A_191 = arith.constant 0 : i32
      %scan3A_192 = arith.constant 8 : i32
      %scan3A_193 = arith.addi %scan3A_191, %scan3A_192 : i32
      %scan3A_194 = arith.constant 1 : i32
      scf.for %scan3A_196 = %scan3A_191 to %scan3A_193 step %scan3A_194  : i32 {
        %mul3A_197 = arith.constant 16 : i32
        %mul3A_198 = arith.muli %scan3A_196, %mul3A_197 : i32
        %add3A_199 = arith.constant 0 : i32
        %add3A_200 = arith.addi %add3A_199, %mul3A_198 : i32
        %swap3A = arith.index_cast %add3A_190 : i32 to index
        %swap3A_201 = arith.index_cast %add3A_200 : i32 to index
        %swap3A_202 = tpu.vector_load %arg9[%swap3A, %swap3A_201] {strides = array<i32>} : memref<80x128xf32, #tpu.memory_space<vmem>>, vector<1x16xf32>,
        %swap3A_203 = vector.shape_cast %swap3A_202 : vector<1x16xf32> to vector<1x16xf32>
        %swap3A_204 = vector.shape_cast %broadcast_in_dim3A_26 : vector<1x16xf32> to vector<1x16xf32>
        tpu.vector_store %arg9[%swap3A, %swap3A_201], %swap3A_204 {strides = array<i32>} : memref<80x128xf32, #tpu.memory_space<vmem>>, vector<1x16xf32>,
      }
      %scan3A_195 = arith.constant 8 : i32
    }
    %scan3A_30 = arith.constant 80 : i32
    %scan3A_31 = arith.constant 0 : i32
    %scan3A_32 = arith.constant 8 : i32
    %scan3A_33 = arith.addi %scan3A_31, %scan3A_32 : i32
    %scan3A_34 = arith.constant 1 : i32
    scf.for %scan3A_186 = %scan3A_31 to %scan3A_33 step %scan3A_34  : i32 {
      %mul3A_187 = arith.constant 1 : i32
      %mul3A_188 = arith.muli %scan3A_186, %mul3A_187 : i32
      %add3A_189 = arith.constant 0 : i32
      %add3A_190 = arith.addi %add3A_189, %mul3A_188 : i32
      %mul3A_191 = arith.constant 640 : i32
      %mul3A_192 = arith.muli %arg1, %mul3A_191 : i32
      %mul3A_193 = arith.constant 80 : i32
      %mul3A_194 = arith.muli %add3A_190, %mul3A_193 : i32
      %add3A_195 = arith.addi %mul3A_192, %mul3A_194 : i32
      "tpu.region"() ({
        %run_scoped3A = tpu.sem_alloc : memref<!tpu.dma_semaphore, #tpu.memory_space<semaphore_mem>>
        %dma_start3A_196 = arith.constant 0 : i32
        %dma_start3A_197 = tpu.memref_slice %arg12[%add3A_195, %dma_start3A_196] : memref<10240x128xf32, #tpu.memory_space<vmem_shared>> -> memref<80x128xf32, #tpu.memory_space<vmem_shared>>
        %dma_start3A_198 = arith.constant 0 : i32
        %dma_start3A_199 = tpu.memref_slice %arg12[%add3A_195, %dma_start3A_198] : memref<10240x128xf32, #tpu.memory_space<vmem_shared>> -> memref<80x128xf32, #tpu.memory_space<vmem_shared>>
        tpu.enqueue_dma source(%arg9 : memref<80x128xf32, #tpu.memory_space<vmem>>) target(%dma_start3A_199 : memref<80x128xf32, #tpu.memory_space<vmem_shared>>) target_semaphore(%run_scoped3A : memref<!tpu.dma_semaphore, #tpu.memory_space<semaphore_mem>>)
        %dma_wait3A_200 = arith.constant 0 : i32
        %dma_wait3A_201 = tpu.memref_slice %arg12[%add3A_195, %dma_wait3A_200] : memref<10240x128xf32, #tpu.memory_space<vmem_shared>> -> memref<80x128xf32, #tpu.memory_space<vmem_shared>>
        %dma_wait3A_202 = arith.constant 0 : i32
        %dma_wait3A_203 = tpu.memref_slice %arg12[%add3A_195, %dma_wait3A_202] : memref<10240x128xf32, #tpu.memory_space<vmem_shared>> -> memref<80x128xf32, #tpu.memory_space<vmem_shared>>
        tpu.wait_dma2 semaphore(%run_scoped3A : memref<!tpu.dma_semaphore, #tpu.memory_space<semaphore_mem>>) src(%arg9 : memref<80x128xf32, #tpu.memory_space<vmem>>) dst(%dma_wait3A_203 : memref<80x128xf32, #tpu.memory_space<vmem_shared>>)
        tpu.yield
      }) : () -> ()
    }
    %scan3A_35 = arith.constant 8 : i32
    %dma_wait3A = tpu.memref_slice %arg3[%mul3A_4] : memref<640000xi32, #tpu.memory_space<hbm>> -> memref<10000xi32, #tpu.memory_space<hbm>>
    %dma_wait3A_36 = tpu.memref_slice %arg3[%mul3A_4] : memref<640000xi32, #tpu.memory_space<hbm>> -> memref<10000xi32, #tpu.memory_space<hbm>>
    tpu.wait_dma2 semaphore(%arg13 : memref<!tpu.dma_semaphore, #tpu.memory_space<semaphore_mem>>) src(%dma_wait3A_36 : memref<10000xi32, #tpu.memory_space<hbm>>) dst(%arg5 : memref<10000xi32, #tpu.memory_space<vmem>>)
    %barrier3A = arith.constant 0 : index
    tpu.barrier barrier_id(%barrier3A)
    %multiple_of3A_37 = arith.constant 0 : i32
    %multiple_of3A_38 = tpu.assume_multiple %multiple_of3A_37, 8 : i32
    %dma_start3A_39 = tpu.memref_slice %arg5[%multiple_of3A_38] : memref<10000xi32, #tpu.memory_space<vmem>> -> memref<80xi32, #tpu.memory_space<vmem>>
    %dma_start3A_40 = arith.constant 0 : i32
    %dma_start3A_41 = arith.constant 0 : i32
    %dma_start3A_42 = tpu.memref_slice %arg2[%dma_start3A_40, %dma_start3A_41] : memref<10000x128xf32, #tpu.memory_space<hbm>> -> memref<10000x128xf32, #tpu.memory_space<hbm>>
    tpu.enqueue_indirect_dma source(%dma_start3A_42 : memref<10000x128xf32, #tpu.memory_space<hbm>>) target(%arg9 : memref<80x128xf32, #tpu.memory_space<vmem>>) offsets(%dma_start3A_39 : memref<80xi32, #tpu.memory_space<vmem>>) semaphore(%arg14 : memref<!tpu.dma_semaphore, #tpu.memory_space<semaphore_mem>>)
    %multiple_of3A_43 = arith.constant 80 : i32
    %multiple_of3A_44 = tpu.assume_multiple %multiple_of3A_43, 8 : i32
    %dma_start3A_45 = tpu.memref_slice %arg5[%multiple_of3A_44] : memref<10000xi32, #tpu.memory_space<vmem>> -> memref<80xi32, #tpu.memory_space<vmem>>
    %dma_start3A_46 = arith.constant 0 : i32
    %dma_start3A_47 = arith.constant 0 : i32
    %dma_start3A_48 = tpu.memref_slice %arg2[%dma_start3A_46, %dma_start3A_47] : memref<10000x128xf32, #tpu.memory_space<hbm>> -> memref<10000x128xf32, #tpu.memory_space<hbm>>
    tpu.enqueue_indirect_dma source(%dma_start3A_48 : memref<10000x128xf32, #tpu.memory_space<hbm>>) target(%arg10 : memref<80x128xf32, #tpu.memory_space<vmem>>) offsets(%dma_start3A_45 : memref<80xi32, #tpu.memory_space<vmem>>) semaphore(%arg15 : memref<!tpu.dma_semaphore, #tpu.memory_space<semaphore_mem>>)
    %multiple_of3A_49 = arith.constant 160 : i32
    %multiple_of3A_50 = tpu.assume_multiple %multiple_of3A_49, 8 : i32
    %dma_start3A_51 = tpu.memref_slice %arg5[%multiple_of3A_50] : memref<10000xi32, #tpu.memory_space<vmem>> -> memref<80xi32, #tpu.memory_space<vmem>>
    %dma_start3A_52 = arith.constant 0 : i32
    %dma_start3A_53 = arith.constant 0 : i32
    %dma_start3A_54 = tpu.memref_slice %arg2[%dma_start3A_52, %dma_start3A_53] : memref<10000x128xf32, #tpu.memory_space<hbm>> -> memref<10000x128xf32, #tpu.memory_space<hbm>>
    tpu.enqueue_indirect_dma source(%dma_start3A_54 : memref<10000x128xf32, #tpu.memory_space<hbm>>) target(%arg11 : memref<80x128xf32, #tpu.memory_space<vmem>>) offsets(%dma_start3A_51 : memref<80xi32, #tpu.memory_space<vmem>>) semaphore(%arg16 : memref<!tpu.dma_semaphore, #tpu.memory_space<semaphore_mem>>)
    %multiple_of3A_55 = arith.constant 0 : i32
    %multiple_of3A_56 = tpu.assume_multiple %multiple_of3A_55, 8 : i32
    %dma_wait3A_57 = tpu.memref_slice %arg5[%multiple_of3A_56] : memref<10000xi32, #tpu.memory_space<vmem>> -> memref<80xi32, #tpu.memory_space<vmem>>
    %dma_wait3A_58 = arith.constant 0 : i32
    %dma_wait3A_59 = arith.constant 0 : i32
    %dma_wait3A_60 = tpu.memref_slice %arg2[%dma_wait3A_58, %dma_wait3A_59] : memref<10000x128xf32, #tpu.memory_space<hbm>> -> memref<10000x128xf32, #tpu.memory_space<hbm>>
    tpu.wait_indirect_dma semaphore(%arg14 : memref<!tpu.dma_semaphore, #tpu.memory_space<semaphore_mem>>) src(%dma_wait3A_60 : memref<10000x128xf32, #tpu.memory_space<hbm>>) dst(%arg9 : memref<80x128xf32, #tpu.memory_space<vmem>>)
    %add3A_61 = arith.constant 320000 : i32
    %add3A_62 = arith.addi %add3A_61, %mul3A_2 : i32
    %add3A_63 = arith.constant 0 : i32
    %add3A_64 = arith.addi %add3A_62, %add3A_63 : i32
    %multiple_of3A_65 = tpu.assume_multiple %add3A_64, 8 : i32
    %dma_wait3A_66 = tpu.memref_slice %arg3[%multiple_of3A_65] : memref<640000xi32, #tpu.memory_space<hbm>> -> memref<80xi32, #tpu.memory_space<hbm>>
    %dma_wait3A_67 = tpu.memref_slice %arg3[%multiple_of3A_65] : memref<640000xi32, #tpu.memory_space<hbm>> -> memref<80xi32, #tpu.memory_space<hbm>>
    tpu.wait_dma2 semaphore(%arg17 : memref<!tpu.dma_semaphore, #tpu.memory_space<semaphore_mem>>) src(%dma_wait3A_67 : memref<80xi32, #tpu.memory_space<hbm>>) dst(%arg6 : memref<80xi32, #tpu.memory_space<vmem>>)
    %dma_start3A_68 = arith.constant 0 : i32
    %dma_start3A_69 = arith.constant 0 : i32
    %dma_start3A_70 = tpu.memref_slice %arg12[%dma_start3A_68, %dma_start3A_69] : memref<10240x128xf32, #tpu.memory_space<vmem_shared>> -> memref<10240x128xf32, #tpu.memory_space<vmem_shared>>
    tpu.enqueue_indirect_dma source(%arg9 : memref<80x128xf32, #tpu.memory_space<vmem>>) target(%dma_start3A_70 : memref<10240x128xf32, #tpu.memory_space<vmem_shared>>) offsets(%arg6 : memref<80xi32, #tpu.memory_space<vmem>>) semaphore(%arg20 : memref<!tpu.dma_semaphore, #tpu.memory_space<semaphore_mem>>) {add = true}
    %scan3A_71 = arith.constant 0 : i32
    %scan3A_72 = arith.constant 40 : i32
    %scan3A_73 = arith.addi %scan3A_71, %scan3A_72 : i32
    %scan3A_74 = arith.constant 1 : i32
    scf.for %scan3A_186 = %scan3A_71 to %scan3A_73 step %scan3A_74  : i32 {
      %mul3A_187 = arith.constant 1 : i32
      %mul3A_188 = arith.muli %scan3A_186, %mul3A_187 : i32
      %add3A_189 = arith.constant 0 : i32
      %add3A_190 = arith.addi %add3A_189, %mul3A_188 : i32
      %mul3A_191 = arith.constant 3 : i32
      %mul3A_192 = arith.muli %mul3A_191, %add3A_190 : i32
      %add3A_193 = arith.constant 1 : i32
      %add3A_194 = arith.addi %mul3A_192, %add3A_193 : i32
      %dma_wait3A_195 = arith.constant 0 : i32
      %dma_wait3A_196 = arith.constant 0 : i32
      %dma_wait3A_197 = tpu.memref_slice %arg12[%dma_wait3A_195, %dma_wait3A_196] : memref<10240x128xf32, #tpu.memory_space<vmem_shared>> -> memref<10240x128xf32, #tpu.memory_space<vmem_shared>>
      tpu.wait_indirect_dma semaphore(%arg20 : memref<!tpu.dma_semaphore, #tpu.memory_space<semaphore_mem>>) src(%arg9 : memref<80x128xf32, #tpu.memory_space<vmem>>) dst(%dma_wait3A_197 : memref<10240x128xf32, #tpu.memory_space<vmem_shared>>)
      %add3A_198 = arith.constant 2 : i32
      %add3A_199 = arith.addi %add3A_194, %add3A_198 : i32
      %add3A_200 = arith.constant 320000 : i32
      %add3A_201 = arith.addi %add3A_200, %mul3A_2 : i32
      %mul3A_202 = arith.constant 80 : i32
      %mul3A_203 = arith.muli %add3A_199, %mul3A_202 : i32
      %add3A_204 = arith.addi %add3A_201, %mul3A_203 : i32
      %multiple_of3A_205 = tpu.assume_multiple %add3A_204, 8 : i32
      %dma_start3A_206 = tpu.memref_slice %arg3[%multiple_of3A_205] : memref<640000xi32, #tpu.memory_space<hbm>> -> memref<80xi32, #tpu.memory_space<hbm>>
      %dma_start3A_207 = tpu.memref_slice %arg3[%multiple_of3A_205] : memref<640000xi32, #tpu.memory_space<hbm>> -> memref<80xi32, #tpu.memory_space<hbm>>
      tpu.enqueue_dma source(%dma_start3A_207 : memref<80xi32, #tpu.memory_space<hbm>>) target(%arg6 : memref<80xi32, #tpu.memory_space<vmem>>) target_semaphore(%arg17 : memref<!tpu.dma_semaphore, #tpu.memory_space<semaphore_mem>>)
      %add3A_208 = arith.constant 2 : i32
      %add3A_209 = arith.addi %add3A_194, %add3A_208 : i32
      %mul3A_210 = arith.constant 80 : i32
      %mul3A_211 = arith.muli %add3A_209, %mul3A_210 : i32
      %multiple_of3A_212 = tpu.assume_multiple %mul3A_211, 8 : i32
      %dma_start3A_213 = tpu.memref_slice %arg5[%multiple_of3A_212] : memref<10000xi32, #tpu.memory_space<vmem>> -> memref<80xi32, #tpu.memory_space<vmem>>
      %dma_start3A_214 = arith.constant 0 : i32
      %dma_start3A_215 = arith.constant 0 : i32
      %dma_start3A_216 = tpu.memref_slice %arg2[%dma_start3A_214, %dma_start3A_215] : memref<10000x128xf32, #tpu.memory_space<hbm>> -> memref<10000x128xf32, #tpu.memory_space<hbm>>
      tpu.enqueue_indirect_dma source(%dma_start3A_216 : memref<10000x128xf32, #tpu.memory_space<hbm>>) target(%arg9 : memref<80x128xf32, #tpu.memory_space<vmem>>) offsets(%dma_start3A_213 : memref<80xi32, #tpu.memory_space<vmem>>) semaphore(%arg14 : memref<!tpu.dma_semaphore, #tpu.memory_space<semaphore_mem>>)
      %mul3A_217 = arith.constant 80 : i32
      %mul3A_218 = arith.muli %add3A_194, %mul3A_217 : i32
      %multiple_of3A_219 = tpu.assume_multiple %mul3A_218, 8 : i32
      %dma_wait3A_220 = tpu.memref_slice %arg5[%multiple_of3A_219] : memref<10000xi32, #tpu.memory_space<vmem>> -> memref<80xi32, #tpu.memory_space<vmem>>
      %dma_wait3A_221 = arith.constant 0 : i32
      %dma_wait3A_222 = arith.constant 0 : i32
      %dma_wait3A_223 = tpu.memref_slice %arg2[%dma_wait3A_221, %dma_wait3A_222] : memref<10000x128xf32, #tpu.memory_space<hbm>> -> memref<10000x128xf32, #tpu.memory_space<hbm>>
      tpu.wait_indirect_dma semaphore(%arg15 : memref<!tpu.dma_semaphore, #tpu.memory_space<semaphore_mem>>) src(%dma_wait3A_223 : memref<10000x128xf32, #tpu.memory_space<hbm>>) dst(%arg10 : memref<80x128xf32, #tpu.memory_space<vmem>>)
      %add3A_224 = arith.constant 320000 : i32
      %add3A_225 = arith.addi %add3A_224, %mul3A_2 : i32
      %mul3A_226 = arith.constant 80 : i32
      %mul3A_227 = arith.muli %add3A_194, %mul3A_226 : i32
      %add3A_228 = arith.addi %add3A_225, %mul3A_227 : i32
      %multiple_of3A_229 = tpu.assume_multiple %add3A_228, 8 : i32
      %dma_wait3A_230 = tpu.memref_slice %arg3[%multiple_of3A_229] : memref<640000xi32, #tpu.memory_space<hbm>> -> memref<80xi32, #tpu.memory_space<hbm>>
      %dma_wait3A_231 = tpu.memref_slice %arg3[%multiple_of3A_229] : memref<640000xi32, #tpu.memory_space<hbm>> -> memref<80xi32, #tpu.memory_space<hbm>>
      tpu.wait_dma2 semaphore(%arg18 : memref<!tpu.dma_semaphore, #tpu.memory_space<semaphore_mem>>) src(%dma_wait3A_231 : memref<80xi32, #tpu.memory_space<hbm>>) dst(%arg7 : memref<80xi32, #tpu.memory_space<vmem>>)
      %dma_start3A_232 = arith.constant 0 : i32
      %dma_start3A_233 = arith.constant 0 : i32
      %dma_start3A_234 = tpu.memref_slice %arg12[%dma_start3A_232, %dma_start3A_233] : memref<10240x128xf32, #tpu.memory_space<vmem_shared>> -> memref<10240x128xf32, #tpu.memory_space<vmem_shared>>
      tpu.enqueue_indirect_dma source(%arg10 : memref<80x128xf32, #tpu.memory_space<vmem>>) target(%dma_start3A_234 : memref<10240x128xf32, #tpu.memory_space<vmem_shared>>) offsets(%arg7 : memref<80xi32, #tpu.memory_space<vmem>>) semaphore(%arg21 : memref<!tpu.dma_semaphore, #tpu.memory_space<semaphore_mem>>) {add = true}
      %add3A_235 = arith.constant 2 : i32
      %add3A_236 = arith.addi %mul3A_192, %add3A_235 : i32
      %dma_wait3A_237 = arith.constant 0 : i32
      %dma_wait3A_238 = arith.constant 0 : i32
      %dma_wait3A_239 = tpu.memref_slice %arg12[%dma_wait3A_237, %dma_wait3A_238] : memref<10240x128xf32, #tpu.memory_space<vmem_shared>> -> memref<10240x128xf32, #tpu.memory_space<vmem_shared>>
      tpu.wait_indirect_dma semaphore(%arg21 : memref<!tpu.dma_semaphore, #tpu.memory_space<semaphore_mem>>) src(%arg10 : memref<80x128xf32, #tpu.memory_space<vmem>>) dst(%dma_wait3A_239 : memref<10240x128xf32, #tpu.memory_space<vmem_shared>>)
      %add3A_240 = arith.constant 2 : i32
      %add3A_241 = arith.addi %add3A_236, %add3A_240 : i32
      %add3A_242 = arith.constant 320000 : i32
      %add3A_243 = arith.addi %add3A_242, %mul3A_2 : i32
      %mul3A_244 = arith.constant 80 : i32
      %mul3A_245 = arith.muli %add3A_241, %mul3A_244 : i32
      %add3A_246 = arith.addi %add3A_243, %mul3A_245 : i32
      %multiple_of3A_247 = tpu.assume_multiple %add3A_246, 8 : i32
      %dma_start3A_248 = tpu.memref_slice %arg3[%multiple_of3A_247] : memref<640000xi32, #tpu.memory_space<hbm>> -> memref<80xi32, #tpu.memory_space<hbm>>
      %dma_start3A_249 = tpu.memref_slice %arg3[%multiple_of3A_247] : memref<640000xi32, #tpu.memory_space<hbm>> -> memref<80xi32, #tpu.memory_space<hbm>>
      tpu.enqueue_dma source(%dma_start3A_249 : memref<80xi32, #tpu.memory_space<hbm>>) target(%arg7 : memref<80xi32, #tpu.memory_space<vmem>>) target_semaphore(%arg18 : memref<!tpu.dma_semaphore, #tpu.memory_space<semaphore_mem>>)
      %add3A_250 = arith.constant 2 : i32
      %add3A_251 = arith.addi %add3A_236, %add3A_250 : i32
      %mul3A_252 = arith.constant 80 : i32
      %mul3A_253 = arith.muli %add3A_251, %mul3A_252 : i32
      %multiple_of3A_254 = tpu.assume_multiple %mul3A_253, 8 : i32
      %dma_start3A_255 = tpu.memref_slice %arg5[%multiple_of3A_254] : memref<10000xi32, #tpu.memory_space<vmem>> -> memref<80xi32, #tpu.memory_space<vmem>>
      %dma_start3A_256 = arith.constant 0 : i32
      %dma_start3A_257 = arith.constant 0 : i32
      %dma_start3A_258 = tpu.memref_slice %arg2[%dma_start3A_256, %dma_start3A_257] : memref<10000x128xf32, #tpu.memory_space<hbm>> -> memref<10000x128xf32, #tpu.memory_space<hbm>>
      tpu.enqueue_indirect_dma source(%dma_start3A_258 : memref<10000x128xf32, #tpu.memory_space<hbm>>) target(%arg10 : memref<80x128xf32, #tpu.memory_space<vmem>>) offsets(%dma_start3A_255 : memref<80xi32, #tpu.memory_space<vmem>>) semaphore(%arg15 : memref<!tpu.dma_semaphore, #tpu.memory_space<semaphore_mem>>)
      %mul3A_259 = arith.constant 80 : i32
      %mul3A_260 = arith.muli %add3A_236, %mul3A_259 : i32
      %multiple_of3A_261 = tpu.assume_multiple %mul3A_260, 8 : i32
      %dma_wait3A_262 = tpu.memref_slice %arg5[%multiple_of3A_261] : memref<10000xi32, #tpu.memory_space<vmem>> -> memref<80xi32, #tpu.memory_space<vmem>>
      %dma_wait3A_263 = arith.constant 0 : i32
      %dma_wait3A_264 = arith.constant 0 : i32
      %dma_wait3A_265 = tpu.memref_slice %arg2[%dma_wait3A_263, %dma_wait3A_264] : memref<10000x128xf32, #tpu.memory_space<hbm>> -> memref<10000x128xf32, #tpu.memory_space<hbm>>
      tpu.wait_indirect_dma semaphore(%arg16 : memref<!tpu.dma_semaphore, #tpu.memory_space<semaphore_mem>>) src(%dma_wait3A_265 : memref<10000x128xf32, #tpu.memory_space<hbm>>) dst(%arg11 : memref<80x128xf32, #tpu.memory_space<vmem>>)
      %add3A_266 = arith.constant 320000 : i32
      %add3A_267 = arith.addi %add3A_266, %mul3A_2 : i32
      %mul3A_268 = arith.constant 80 : i32
      %mul3A_269 = arith.muli %add3A_236, %mul3A_268 : i32
      %add3A_270 = arith.addi %add3A_267, %mul3A_269 : i32
      %multiple_of3A_271 = tpu.assume_multiple %add3A_270, 8 : i32
      %dma_wait3A_272 = tpu.memref_slice %arg3[%multiple_of3A_271] : memref<640000xi32, #tpu.memory_space<hbm>> -> memref<80xi32, #tpu.memory_space<hbm>>
      %dma_wait3A_273 = tpu.memref_slice %arg3[%multiple_of3A_271] : memref<640000xi32, #tpu.memory_space<hbm>> -> memref<80xi32, #tpu.memory_space<hbm>>
      tpu.wait_dma2 semaphore(%arg19 : memref<!tpu.dma_semaphore, #tpu.memory_space<semaphore_mem>>) src(%dma_wait3A_273 : memref<80xi32, #tpu.memory_space<hbm>>) dst(%arg8 : memref<80xi32, #tpu.memory_space<vmem>>)
      %dma_start3A_274 = arith.constant 0 : i32
      %dma_start3A_275 = arith.constant 0 : i32
      %dma_start3A_276 = tpu.memref_slice %arg12[%dma_start3A_274, %dma_start3A_275] : memref<10240x128xf32, #tpu.memory_space<vmem_shared>> -> memref<10240x128xf32, #tpu.memory_space<vmem_shared>>
      tpu.enqueue_indirect_dma source(%arg11 : memref<80x128xf32, #tpu.memory_space<vmem>>) target(%dma_start3A_276 : memref<10240x128xf32, #tpu.memory_space<vmem_shared>>) offsets(%arg8 : memref<80xi32, #tpu.memory_space<vmem>>) semaphore(%arg22 : memref<!tpu.dma_semaphore, #tpu.memory_space<semaphore_mem>>) {add = true}
      %add3A_277 = arith.constant 3 : i32
      %add3A_278 = arith.addi %mul3A_192, %add3A_277 : i32
      %dma_wait3A_279 = arith.constant 0 : i32
      %dma_wait3A_280 = arith.constant 0 : i32
      %dma_wait3A_281 = tpu.memref_slice %arg12[%dma_wait3A_279, %dma_wait3A_280] : memref<10240x128xf32, #tpu.memory_space<vmem_shared>> -> memref<10240x128xf32, #tpu.memory_space<vmem_shared>>
      tpu.wait_indirect_dma semaphore(%arg22 : memref<!tpu.dma_semaphore, #tpu.memory_space<semaphore_mem>>) src(%arg11 : memref<80x128xf32, #tpu.memory_space<vmem>>) dst(%dma_wait3A_281 : memref<10240x128xf32, #tpu.memory_space<vmem_shared>>)
      %add3A_282 = arith.constant 2 : i32
      %add3A_283 = arith.addi %add3A_278, %add3A_282 : i32
      %add3A_284 = arith.constant 320000 : i32
      %add3A_285 = arith.addi %add3A_284, %mul3A_2 : i32
      %mul3A_286 = arith.constant 80 : i32
      %mul3A_287 = arith.muli %add3A_283, %mul3A_286 : i32
      %add3A_288 = arith.addi %add3A_285, %mul3A_287 : i32
      %multiple_of3A_289 = tpu.assume_multiple %add3A_288, 8 : i32
      %dma_start3A_290 = tpu.memref_slice %arg3[%multiple_of3A_289] : memref<640000xi32, #tpu.memory_space<hbm>> -> memref<80xi32, #tpu.memory_space<hbm>>
      %dma_start3A_291 = tpu.memref_slice %arg3[%multiple_of3A_289] : memref<640000xi32, #tpu.memory_space<hbm>> -> memref<80xi32, #tpu.memory_space<hbm>>
      tpu.enqueue_dma source(%dma_start3A_291 : memref<80xi32, #tpu.memory_space<hbm>>) target(%arg8 : memref<80xi32, #tpu.memory_space<vmem>>) target_semaphore(%arg19 : memref<!tpu.dma_semaphore, #tpu.memory_space<semaphore_mem>>)
      %add3A_292 = arith.constant 2 : i32
      %add3A_293 = arith.addi %add3A_278, %add3A_292 : i32
      %mul3A_294 = arith.constant 80 : i32
      %mul3A_295 = arith.muli %add3A_293, %mul3A_294 : i32
      %multiple_of3A_296 = tpu.assume_multiple %mul3A_295, 8 : i32
      %dma_start3A_297 = tpu.memref_slice %arg5[%multiple_of3A_296] : memref<10000xi32, #tpu.memory_space<vmem>> -> memref<80xi32, #tpu.memory_space<vmem>>
      %dma_start3A_298 = arith.constant 0 : i32
      %dma_start3A_299 = arith.constant 0 : i32
      %dma_start3A_300 = tpu.memref_slice %arg2[%dma_start3A_298, %dma_start3A_299] : memref<10000x128xf32, #tpu.memory_space<hbm>> -> memref<10000x128xf32, #tpu.memory_space<hbm>>
      tpu.enqueue_indirect_dma source(%dma_start3A_300 : memref<10000x128xf32, #tpu.memory_space<hbm>>) target(%arg11 : memref<80x128xf32, #tpu.memory_space<vmem>>) offsets(%dma_start3A_297 : memref<80xi32, #tpu.memory_space<vmem>>) semaphore(%arg16 : memref<!tpu.dma_semaphore, #tpu.memory_space<semaphore_mem>>)
      %mul3A_301 = arith.constant 80 : i32
      %mul3A_302 = arith.muli %add3A_278, %mul3A_301 : i32
      %multiple_of3A_303 = tpu.assume_multiple %mul3A_302, 8 : i32
      %dma_wait3A_304 = tpu.memref_slice %arg5[%multiple_of3A_303] : memref<10000xi32, #tpu.memory_space<vmem>> -> memref<80xi32, #tpu.memory_space<vmem>>
      %dma_wait3A_305 = arith.constant 0 : i32
      %dma_wait3A_306 = arith.constant 0 : i32
      %dma_wait3A_307 = tpu.memref_slice %arg2[%dma_wait3A_305, %dma_wait3A_306] : memref<10000x128xf32, #tpu.memory_space<hbm>> -> memref<10000x128xf32, #tpu.memory_space<hbm>>
      tpu.wait_indirect_dma semaphore(%arg14 : memref<!tpu.dma_semaphore, #tpu.memory_space<semaphore_mem>>) src(%dma_wait3A_307 : memref<10000x128xf32, #tpu.memory_space<hbm>>) dst(%arg9 : memref<80x128xf32, #tpu.memory_space<vmem>>)
      %add3A_308 = arith.constant 320000 : i32
      %add3A_309 = arith.addi %add3A_308, %mul3A_2 : i32
      %mul3A_310 = arith.constant 80 : i32
      %mul3A_311 = arith.muli %add3A_278, %mul3A_310 : i32
      %add3A_312 = arith.addi %add3A_309, %mul3A_311 : i32
      %multiple_of3A_313 = tpu.assume_multiple %add3A_312, 8 : i32
      %dma_wait3A_314 = tpu.memref_slice %arg3[%multiple_of3A_313] : memref<640000xi32, #tpu.memory_space<hbm>> -> memref<80xi32, #tpu.memory_space<hbm>>
      %dma_wait3A_315 = tpu.memref_slice %arg3[%multiple_of3A_313] : memref<640000xi32, #tpu.memory_space<hbm>> -> memref<80xi32, #tpu.memory_space<hbm>>
      tpu.wait_dma2 semaphore(%arg17 : memref<!tpu.dma_semaphore, #tpu.memory_space<semaphore_mem>>) src(%dma_wait3A_315 : memref<80xi32, #tpu.memory_space<hbm>>) dst(%arg6 : memref<80xi32, #tpu.memory_space<vmem>>)
      %dma_start3A_316 = arith.constant 0 : i32
      %dma_start3A_317 = arith.constant 0 : i32
      %dma_start3A_318 = tpu.memref_slice %arg12[%dma_start3A_316, %dma_start3A_317] : memref<10240x128xf32, #tpu.memory_space<vmem_shared>> -> memref<10240x128xf32, #tpu.memory_space<vmem_shared>>
      tpu.enqueue_indirect_dma source(%arg9 : memref<80x128xf32, #tpu.memory_space<vmem>>) target(%dma_start3A_318 : memref<10240x128xf32, #tpu.memory_space<vmem_shared>>) offsets(%arg6 : memref<80xi32, #tpu.memory_space<vmem>>) semaphore(%arg20 : memref<!tpu.dma_semaphore, #tpu.memory_space<semaphore_mem>>) {add = true}
    }
    %scan3A_75 = arith.constant 40 : i32
    %dma_wait3A_76 = arith.constant 0 : i32
    %dma_wait3A_77 = arith.constant 0 : i32
    %dma_wait3A_78 = tpu.memref_slice %arg12[%dma_wait3A_76, %dma_wait3A_77] : memref<10240x128xf32, #tpu.memory_space<vmem_shared>> -> memref<10240x128xf32, #tpu.memory_space<vmem_shared>>
    tpu.wait_indirect_dma semaphore(%arg20 : memref<!tpu.dma_semaphore, #tpu.memory_space<semaphore_mem>>) src(%arg9 : memref<80x128xf32, #tpu.memory_space<vmem>>) dst(%dma_wait3A_78 : memref<10240x128xf32, #tpu.memory_space<vmem_shared>>)
    %add3A_79 = arith.constant 320000 : i32
    %add3A_80 = arith.addi %add3A_79, %mul3A_2 : i32
    %add3A_81 = arith.constant 9840 : i32
    %add3A_82 = arith.addi %add3A_80, %add3A_81 : i32
    %multiple_of3A_83 = tpu.assume_multiple %add3A_82, 8 : i32
    %dma_start3A_84 = tpu.memref_slice %arg3[%multiple_of3A_83] : memref<640000xi32, #tpu.memory_space<hbm>> -> memref<80xi32, #tpu.memory_space<hbm>>
    %dma_start3A_85 = tpu.memref_slice %arg3[%multiple_of3A_83] : memref<640000xi32, #tpu.memory_space<hbm>> -> memref<80xi32, #tpu.memory_space<hbm>>
    tpu.enqueue_dma source(%dma_start3A_85 : memref<80xi32, #tpu.memory_space<hbm>>) target(%arg6 : memref<80xi32, #tpu.memory_space<vmem>>) target_semaphore(%arg17 : memref<!tpu.dma_semaphore, #tpu.memory_space<semaphore_mem>>)
    %multiple_of3A_86 = arith.constant 9840 : i32
    %multiple_of3A_87 = tpu.assume_multiple %multiple_of3A_86, 8 : i32
    %dma_start3A_88 = tpu.memref_slice %arg5[%multiple_of3A_87] : memref<10000xi32, #tpu.memory_space<vmem>> -> memref<80xi32, #tpu.memory_space<vmem>>
    %dma_start3A_89 = arith.constant 0 : i32
    %dma_start3A_90 = arith.constant 0 : i32
    %dma_start3A_91 = tpu.memref_slice %arg2[%dma_start3A_89, %dma_start3A_90] : memref<10000x128xf32, #tpu.memory_space<hbm>> -> memref<10000x128xf32, #tpu.memory_space<hbm>>
    tpu.enqueue_indirect_dma source(%dma_start3A_91 : memref<10000x128xf32, #tpu.memory_space<hbm>>) target(%arg9 : memref<80x128xf32, #tpu.memory_space<vmem>>) offsets(%dma_start3A_88 : memref<80xi32, #tpu.memory_space<vmem>>) semaphore(%arg14 : memref<!tpu.dma_semaphore, #tpu.memory_space<semaphore_mem>>)
    %multiple_of3A_92 = arith.constant 9680 : i32
    %multiple_of3A_93 = tpu.assume_multiple %multiple_of3A_92, 8 : i32
    %dma_wait3A_94 = tpu.memref_slice %arg5[%multiple_of3A_93] : memref<10000xi32, #tpu.memory_space<vmem>> -> memref<80xi32, #tpu.memory_space<vmem>>
    %dma_wait3A_95 = arith.constant 0 : i32
    %dma_wait3A_96 = arith.constant 0 : i32
    %dma_wait3A_97 = tpu.memref_slice %arg2[%dma_wait3A_95, %dma_wait3A_96] : memref<10000x128xf32, #tpu.memory_space<hbm>> -> memref<10000x128xf32, #tpu.memory_space<hbm>>
    tpu.wait_indirect_dma semaphore(%arg15 : memref<!tpu.dma_semaphore, #tpu.memory_space<semaphore_mem>>) src(%dma_wait3A_97 : memref<10000x128xf32, #tpu.memory_space<hbm>>) dst(%arg10 : memref<80x128xf32, #tpu.memory_space<vmem>>)
    %add3A_98 = arith.constant 320000 : i32
    %add3A_99 = arith.addi %add3A_98, %mul3A_2 : i32
    %add3A_100 = arith.constant 9680 : i32
    %add3A_101 = arith.addi %add3A_99, %add3A_100 : i32
    %multiple_of3A_102 = tpu.assume_multiple %add3A_101, 8 : i32
    %dma_wait3A_103 = tpu.memref_slice %arg3[%multiple_of3A_102] : memref<640000xi32, #tpu.memory_space<hbm>> -> memref<80xi32, #tpu.memory_space<hbm>>
    %dma_wait3A_104 = tpu.memref_slice %arg3[%multiple_of3A_102] : memref<640000xi32, #tpu.memory_space<hbm>> -> memref<80xi32, #tpu.memory_space<hbm>>
    tpu.wait_dma2 semaphore(%arg18 : memref<!tpu.dma_semaphore, #tpu.memory_space<semaphore_mem>>) src(%dma_wait3A_104 : memref<80xi32, #tpu.memory_space<hbm>>) dst(%arg7 : memref<80xi32, #tpu.memory_space<vmem>>)
    %dma_start3A_105 = arith.constant 0 : i32
    %dma_start3A_106 = arith.constant 0 : i32
    %dma_start3A_107 = tpu.memref_slice %arg12[%dma_start3A_105, %dma_start3A_106] : memref<10240x128xf32, #tpu.memory_space<vmem_shared>> -> memref<10240x128xf32, #tpu.memory_space<vmem_shared>>
    tpu.enqueue_indirect_dma source(%arg10 : memref<80x128xf32, #tpu.memory_space<vmem>>) target(%dma_start3A_107 : memref<10240x128xf32, #tpu.memory_space<vmem_shared>>) offsets(%arg7 : memref<80xi32, #tpu.memory_space<vmem>>) semaphore(%arg21 : memref<!tpu.dma_semaphore, #tpu.memory_space<semaphore_mem>>) {add = true}
    %dma_wait3A_108 = arith.constant 0 : i32
    %dma_wait3A_109 = arith.constant 0 : i32
    %dma_wait3A_110 = tpu.memref_slice %arg12[%dma_wait3A_108, %dma_wait3A_109] : memref<10240x128xf32, #tpu.memory_space<vmem_shared>> -> memref<10240x128xf32, #tpu.memory_space<vmem_shared>>
    tpu.wait_indirect_dma semaphore(%arg21 : memref<!tpu.dma_semaphore, #tpu.memory_space<semaphore_mem>>) src(%arg10 : memref<80x128xf32, #tpu.memory_space<vmem>>) dst(%dma_wait3A_110 : memref<10240x128xf32, #tpu.memory_space<vmem_shared>>)
    %add3A_111 = arith.constant 320000 : i32
    %add3A_112 = arith.addi %add3A_111, %mul3A_2 : i32
    %add3A_113 = arith.constant 9920 : i32
    %add3A_114 = arith.addi %add3A_112, %add3A_113 : i32
    %multiple_of3A_115 = tpu.assume_multiple %add3A_114, 8 : i32
    %dma_start3A_116 = tpu.memref_slice %arg3[%multiple_of3A_115] : memref<640000xi32, #tpu.memory_space<hbm>> -> memref<80xi32, #tpu.memory_space<hbm>>
    %dma_start3A_117 = tpu.memref_slice %arg3[%multiple_of3A_115] : memref<640000xi32, #tpu.memory_space<hbm>> -> memref<80xi32, #tpu.memory_space<hbm>>
    tpu.enqueue_dma source(%dma_start3A_117 : memref<80xi32, #tpu.memory_space<hbm>>) target(%arg7 : memref<80xi32, #tpu.memory_space<vmem>>) target_semaphore(%arg18 : memref<!tpu.dma_semaphore, #tpu.memory_space<semaphore_mem>>)
    %multiple_of3A_118 = arith.constant 9920 : i32
    %multiple_of3A_119 = tpu.assume_multiple %multiple_of3A_118, 8 : i32
    %dma_start3A_120 = tpu.memref_slice %arg5[%multiple_of3A_119] : memref<10000xi32, #tpu.memory_space<vmem>> -> memref<80xi32, #tpu.memory_space<vmem>>
    %dma_start3A_121 = arith.constant 0 : i32
    %dma_start3A_122 = arith.constant 0 : i32
    %dma_start3A_123 = tpu.memref_slice %arg2[%dma_start3A_121, %dma_start3A_122] : memref<10000x128xf32, #tpu.memory_space<hbm>> -> memref<10000x128xf32, #tpu.memory_space<hbm>>
    tpu.enqueue_indirect_dma source(%dma_start3A_123 : memref<10000x128xf32, #tpu.memory_space<hbm>>) target(%arg10 : memref<80x128xf32, #tpu.memory_space<vmem>>) offsets(%dma_start3A_120 : memref<80xi32, #tpu.memory_space<vmem>>) semaphore(%arg15 : memref<!tpu.dma_semaphore, #tpu.memory_space<semaphore_mem>>)
    %multiple_of3A_124 = arith.constant 9760 : i32
    %multiple_of3A_125 = tpu.assume_multiple %multiple_of3A_124, 8 : i32
    %dma_wait3A_126 = tpu.memref_slice %arg5[%multiple_of3A_125] : memref<10000xi32, #tpu.memory_space<vmem>> -> memref<80xi32, #tpu.memory_space<vmem>>
    %dma_wait3A_127 = arith.constant 0 : i32
    %dma_wait3A_128 = arith.constant 0 : i32
    %dma_wait3A_129 = tpu.memref_slice %arg2[%dma_wait3A_127, %dma_wait3A_128] : memref<10000x128xf32, #tpu.memory_space<hbm>> -> memref<10000x128xf32, #tpu.memory_space<hbm>>
    tpu.wait_indirect_dma semaphore(%arg16 : memref<!tpu.dma_semaphore, #tpu.memory_space<semaphore_mem>>) src(%dma_wait3A_129 : memref<10000x128xf32, #tpu.memory_space<hbm>>) dst(%arg11 : memref<80x128xf32, #tpu.memory_space<vmem>>)
    %add3A_130 = arith.constant 320000 : i32
    %add3A_131 = arith.addi %add3A_130, %mul3A_2 : i32
    %add3A_132 = arith.constant 9760 : i32
    %add3A_133 = arith.addi %add3A_131, %add3A_132 : i32
    %multiple_of3A_134 = tpu.assume_multiple %add3A_133, 8 : i32
    %dma_wait3A_135 = tpu.memref_slice %arg3[%multiple_of3A_134] : memref<640000xi32, #tpu.memory_space<hbm>> -> memref<80xi32, #tpu.memory_space<hbm>>
    %dma_wait3A_136 = tpu.memref_slice %arg3[%multiple_of3A_134] : memref<640000xi32, #tpu.memory_space<hbm>> -> memref<80xi32, #tpu.memory_space<hbm>>
    tpu.wait_dma2 semaphore(%arg19 : memref<!tpu.dma_semaphore, #tpu.memory_space<semaphore_mem>>) src(%dma_wait3A_136 : memref<80xi32, #tpu.memory_space<hbm>>) dst(%arg8 : memref<80xi32, #tpu.memory_space<vmem>>)
    %dma_start3A_137 = arith.constant 0 : i32
    %dma_start3A_138 = arith.constant 0 : i32
    %dma_start3A_139 = tpu.memref_slice %arg12[%dma_start3A_137, %dma_start3A_138] : memref<10240x128xf32, #tpu.memory_space<vmem_shared>> -> memref<10240x128xf32, #tpu.memory_space<vmem_shared>>
    tpu.enqueue_indirect_dma source(%arg11 : memref<80x128xf32, #tpu.memory_space<vmem>>) target(%dma_start3A_139 : memref<10240x128xf32, #tpu.memory_space<vmem_shared>>) offsets(%arg8 : memref<80xi32, #tpu.memory_space<vmem>>) semaphore(%arg22 : memref<!tpu.dma_semaphore, #tpu.memory_space<semaphore_mem>>) {add = true}
    %multiple_of3A_140 = arith.constant 9840 : i32
    %multiple_of3A_141 = tpu.assume_multiple %multiple_of3A_140, 8 : i32
    %dma_wait3A_142 = tpu.memref_slice %arg5[%multiple_of3A_141] : memref<10000xi32, #tpu.memory_space<vmem>> -> memref<80xi32, #tpu.memory_space<vmem>>
    %dma_wait3A_143 = arith.constant 0 : i32
    %dma_wait3A_144 = arith.constant 0 : i32
    %dma_wait3A_145 = tpu.memref_slice %arg2[%dma_wait3A_143, %dma_wait3A_144] : memref<10000x128xf32, #tpu.memory_space<hbm>> -> memref<10000x128xf32, #tpu.memory_space<hbm>>
    tpu.wait_indirect_dma semaphore(%arg14 : memref<!tpu.dma_semaphore, #tpu.memory_space<semaphore_mem>>) src(%dma_wait3A_145 : memref<10000x128xf32, #tpu.memory_space<hbm>>) dst(%arg9 : memref<80x128xf32, #tpu.memory_space<vmem>>)
    %add3A_146 = arith.constant 320000 : i32
    %add3A_147 = arith.addi %add3A_146, %mul3A_2 : i32
    %add3A_148 = arith.constant 9840 : i32
    %add3A_149 = arith.addi %add3A_147, %add3A_148 : i32
    %multiple_of3A_150 = tpu.assume_multiple %add3A_149, 8 : i32
    %dma_wait3A_151 = tpu.memref_slice %arg3[%multiple_of3A_150] : memref<640000xi32, #tpu.memory_space<hbm>> -> memref<80xi32, #tpu.memory_space<hbm>>
    %dma_wait3A_152 = tpu.memref_slice %arg3[%multiple_of3A_150] : memref<640000xi32, #tpu.memory_space<hbm>> -> memref<80xi32, #tpu.memory_space<hbm>>
    tpu.wait_dma2 semaphore(%arg17 : memref<!tpu.dma_semaphore, #tpu.memory_space<semaphore_mem>>) src(%dma_wait3A_152 : memref<80xi32, #tpu.memory_space<hbm>>) dst(%arg6 : memref<80xi32, #tpu.memory_space<vmem>>)
    %dma_start3A_153 = arith.constant 0 : i32
    %dma_start3A_154 = arith.constant 0 : i32
    %dma_start3A_155 = tpu.memref_slice %arg12[%dma_start3A_153, %dma_start3A_154] : memref<10240x128xf32, #tpu.memory_space<vmem_shared>> -> memref<10240x128xf32, #tpu.memory_space<vmem_shared>>
    tpu.enqueue_indirect_dma source(%arg9 : memref<80x128xf32, #tpu.memory_space<vmem>>) target(%dma_start3A_155 : memref<10240x128xf32, #tpu.memory_space<vmem_shared>>) offsets(%arg6 : memref<80xi32, #tpu.memory_space<vmem>>) semaphore(%arg20 : memref<!tpu.dma_semaphore, #tpu.memory_space<semaphore_mem>>) {add = true}
    %multiple_of3A_156 = arith.constant 9920 : i32
    %multiple_of3A_157 = tpu.assume_multiple %multiple_of3A_156, 8 : i32
    %dma_wait3A_158 = tpu.memref_slice %arg5[%multiple_of3A_157] : memref<10000xi32, #tpu.memory_space<vmem>> -> memref<80xi32, #tpu.memory_space<vmem>>
    %dma_wait3A_159 = arith.constant 0 : i32
    %dma_wait3A_160 = arith.constant 0 : i32
    %dma_wait3A_161 = tpu.memref_slice %arg2[%dma_wait3A_159, %dma_wait3A_160] : memref<10000x128xf32, #tpu.memory_space<hbm>> -> memref<10000x128xf32, #tpu.memory_space<hbm>>
    tpu.wait_indirect_dma semaphore(%arg15 : memref<!tpu.dma_semaphore, #tpu.memory_space<semaphore_mem>>) src(%dma_wait3A_161 : memref<10000x128xf32, #tpu.memory_space<hbm>>) dst(%arg10 : memref<80x128xf32, #tpu.memory_space<vmem>>)
    %add3A_162 = arith.constant 320000 : i32
    %add3A_163 = arith.addi %add3A_162, %mul3A_2 : i32
    %add3A_164 = arith.constant 9920 : i32
    %add3A_165 = arith.addi %add3A_163, %add3A_164 : i32
    %multiple_of3A_166 = tpu.assume_multiple %add3A_165, 8 : i32
    %dma_wait3A_167 = tpu.memref_slice %arg3[%multiple_of3A_166] : memref<640000xi32, #tpu.memory_space<hbm>> -> memref<80xi32, #tpu.memory_space<hbm>>
    %dma_wait3A_168 = tpu.memref_slice %arg3[%multiple_of3A_166] : memref<640000xi32, #tpu.memory_space<hbm>> -> memref<80xi32, #tpu.memory_space<hbm>>
    tpu.wait_dma2 semaphore(%arg18 : memref<!tpu.dma_semaphore, #tpu.memory_space<semaphore_mem>>) src(%dma_wait3A_168 : memref<80xi32, #tpu.memory_space<hbm>>) dst(%arg7 : memref<80xi32, #tpu.memory_space<vmem>>)
    %dma_start3A_169 = arith.constant 0 : i32
    %dma_start3A_170 = arith.constant 0 : i32
    %dma_start3A_171 = tpu.memref_slice %arg12[%dma_start3A_169, %dma_start3A_170] : memref<10240x128xf32, #tpu.memory_space<vmem_shared>> -> memref<10240x128xf32, #tpu.memory_space<vmem_shared>>
    tpu.enqueue_indirect_dma source(%arg10 : memref<80x128xf32, #tpu.memory_space<vmem>>) target(%dma_start3A_171 : memref<10240x128xf32, #tpu.memory_space<vmem_shared>>) offsets(%arg7 : memref<80xi32, #tpu.memory_space<vmem>>) semaphore(%arg21 : memref<!tpu.dma_semaphore, #tpu.memory_space<semaphore_mem>>) {add = true}
    %dma_wait3A_172 = arith.constant 0 : i32
    %dma_wait3A_173 = arith.constant 0 : i32
    %dma_wait3A_174 = tpu.memref_slice %arg12[%dma_wait3A_172, %dma_wait3A_173] : memref<10240x128xf32, #tpu.memory_space<vmem_shared>> -> memref<10240x128xf32, #tpu.memory_space<vmem_shared>>
    tpu.wait_indirect_dma semaphore(%arg22 : memref<!tpu.dma_semaphore, #tpu.memory_space<semaphore_mem>>) src(%arg11 : memref<80x128xf32, #tpu.memory_space<vmem>>) dst(%dma_wait3A_174 : memref<10240x128xf32, #tpu.memory_space<vmem_shared>>)
    %dma_wait3A_175 = arith.constant 0 : i32
    %dma_wait3A_176 = arith.constant 0 : i32
    %dma_wait3A_177 = tpu.memref_slice %arg12[%dma_wait3A_175, %dma_wait3A_176] : memref<10240x128xf32, #tpu.memory_space<vmem_shared>> -> memref<10240x128xf32, #tpu.memory_space<vmem_shared>>
    tpu.wait_indirect_dma semaphore(%arg20 : memref<!tpu.dma_semaphore, #tpu.memory_space<semaphore_mem>>) src(%arg9 : memref<80x128xf32, #tpu.memory_space<vmem>>) dst(%dma_wait3A_177 : memref<10240x128xf32, #tpu.memory_space<vmem_shared>>)
    %dma_wait3A_178 = arith.constant 0 : i32
    %dma_wait3A_179 = arith.constant 0 : i32
    %dma_wait3A_180 = tpu.memref_slice %arg12[%dma_wait3A_178, %dma_wait3A_179] : memref<10240x128xf32, #tpu.memory_space<vmem_shared>> -> memref<10240x128xf32, #tpu.memory_space<vmem_shared>>
    tpu.wait_indirect_dma semaphore(%arg21 : memref<!tpu.dma_semaphore, #tpu.memory_space<semaphore_mem>>) src(%arg10 : memref<80x128xf32, #tpu.memory_space<vmem>>) dst(%dma_wait3A_180 : memref<10240x128xf32, #tpu.memory_space<vmem_shared>>)
    %barrier3A_181 = arith.constant 0 : index
    tpu.barrier barrier_id(%barrier3A_181)
    %mul3A_182 = arith.constant 640 : i32
    %mul3A_183 = arith.muli %arg1, %mul3A_182 : i32
    %mul3A_184 = arith.constant 640 : i32
    %mul3A_185 = arith.muli %arg1, %mul3A_184 : i32
    "tpu.region"() ({
      %run_scoped3A = tpu.sem_alloc : memref<!tpu.dma_semaphore, #tpu.memory_space<semaphore_mem>>
      %dma_start3A_186 = arith.constant 0 : i32
      %dma_start3A_187 = tpu.memref_slice %arg4[%arg0, %mul3A_185, %dma_start3A_186] : memref<2x10240x128xf32, #tpu.memory_space<hbm>> -> memref<1x640x128xf32, #tpu.memory_space<hbm>>
      %dma_start3A_188 = tpu.memref_squeeze %dma_start3A_187 : memref<1x640x128xf32, #tpu.memory_space<hbm>> -> memref<640x128xf32, #tpu.memory_space<hbm>>
      %dma_start3A_189 = arith.constant 0 : i32
      %dma_start3A_190 = tpu.memref_slice %arg12[%mul3A_183, %dma_start3A_189] : memref<10240x128xf32, #tpu.memory_space<vmem_shared>> -> memref<640x128xf32, #tpu.memory_space<vmem_shared>>
      tpu.enqueue_dma source(%dma_start3A_190 : memref<640x128xf32, #tpu.memory_space<vmem_shared>>) target(%dma_start3A_188 : memref<640x128xf32, #tpu.memory_space<hbm>>) target_semaphore(%run_scoped3A : memref<!tpu.dma_semaphore, #tpu.memory_space<semaphore_mem>>)
      %dma_wait3A_191 = arith.constant 0 : i32
      %dma_wait3A_192 = tpu.memref_slice %arg4[%arg0, %mul3A_185, %dma_wait3A_191] : memref<2x10240x128xf32, #tpu.memory_space<hbm>> -> memref<1x640x128xf32, #tpu.memory_space<hbm>>
      %dma_wait3A_193 = tpu.memref_squeeze %dma_wait3A_192 : memref<1x640x128xf32, #tpu.memory_space<hbm>> -> memref<640x128xf32, #tpu.memory_space<hbm>>
      %dma_wait3A_194 = arith.constant 0 : i32
      %dma_wait3A_195 = tpu.memref_slice %arg12[%mul3A_183, %dma_wait3A_194] : memref<10240x128xf32, #tpu.memory_space<vmem_shared>> -> memref<640x128xf32, #tpu.memory_space<vmem_shared>>
      tpu.wait_dma2 semaphore(%run_scoped3A : memref<!tpu.dma_semaphore, #tpu.memory_space<semaphore_mem>>) src(%dma_wait3A_195 : memref<640x128xf32, #tpu.memory_space<vmem_shared>>) dst(%dma_wait3A_193 : memref<640x128xf32, #tpu.memory_space<hbm>>)
      tpu.yield
    }) : () -> ()
    return
  }
}

#map = affine_map<(d0, d1) -> (0, 0)>
#map1 = affine_map<(d0, d1) -> (0)>
#map2 = affine_map<(d0, d1) -> (0, 0, 0)>
module attributes {stable_mosaic.version = 14 : i64} {
  func.func @k(%arg0: i32, %arg1: i32, %arg2: memref<10000x128xf32, #tpu.memory_space<hbm>>, %arg3: memref<640000xi32, #tpu.memory_space<hbm>>, %arg4: memref<2x10240x128xf32, #tpu.memory_space<hbm>>, %arg5: memref<10000xi32, #tpu.memory_space<vmem>>, %arg6: memref<80xi32, #tpu.memory_space<vmem>>, %arg7: memref<80xi32, #tpu.memory_space<vmem>>, %arg8: memref<80xi32, #tpu.memory_space<vmem>>, %arg9: memref<80x128xf32, #tpu.memory_space<vmem>>, %arg10: memref<80x128xf32, #tpu.memory_space<vmem>>, %arg11: memref<80x128xf32, #tpu.memory_space<vmem>>, %arg12: memref<10240x128xf32, #tpu.memory_space<vmem_shared>>, %arg13: memref<!tpu.dma_semaphore, #tpu.memory_space<semaphore_mem>>, %arg14: memref<!tpu.dma_semaphore, #tpu.memory_space<semaphore_mem>>, %arg15: memref<!tpu.dma_semaphore, #tpu.memory_space<semaphore_mem>>, %arg16: memref<!tpu.dma_semaphore, #tpu.memory_space<semaphore_mem>>, %arg17: memref<!tpu.dma_semaphore, #tpu.memory_space<semaphore_mem>>, %arg18: memref<!tpu.dma_semaphore, #tpu.memory_space<semaphore_mem>>, %arg19: memref<!tpu.dma_semaphore, #tpu.memory_space<semaphore_mem>>, %arg20: memref<!tpu.dma_semaphore, #tpu.memory_space<semaphore_mem>>, %arg21: memref<!tpu.dma_semaphore, #tpu.memory_space<semaphore_mem>>, %arg22: memref<!tpu.dma_semaphore, #tpu.memory_space<semaphore_mem>>) attributes {dimension_semantics = [#tpu.dimension_semantics<core_parallel>, #tpu.dimension_semantics<subcore_parallel>], iteration_bounds = array<i64: 2, 16>, scalar_prefetch = 0 : i64, scratch_operands = 18 : i64, tpu.core_type = #tpu.core_type<sc_vector_subcore>, window_params = [{transform_indices = #map}, {transform_indices = #map1}, {transform_indices = #map2}]} {
    %mul3A = arith.constant 16 : i32
    %mul3A_0 = arith.muli %arg0, %mul3A : i32
    %add3A = arith.addi %mul3A_0, %arg1 : i32
    %mul3A_1 = arith.constant 10000 : i32
    %mul3A_2 = arith.muli %add3A, %mul3A_1 : i32
    %mul3A_3 = arith.constant 10000 : i32
    %mul3A_4 = arith.muli %add3A, %mul3A_3 : i32
    %dma_start3A = tpu.memref_slice %arg3[%mul3A_4] : memref<640000xi32, #tpu.memory_space<hbm>> -> memref<10000xi32, #tpu.memory_space<hbm>>
    %dma_start3A_5 = tpu.memref_slice %arg3[%mul3A_4] : memref<640000xi32, #tpu.memory_space<hbm>> -> memref<10000xi32, #tpu.memory_space<hbm>>
    tpu.enqueue_dma source(%dma_start3A_5 : memref<10000xi32, #tpu.memory_space<hbm>>) target(%arg5 : memref<10000xi32, #tpu.memory_space<vmem>>) target_semaphore(%arg13 : memref<!tpu.dma_semaphore, #tpu.memory_space<semaphore_mem>>)
    %add3A_6 = arith.constant 320000 : i32
    %add3A_7 = arith.addi %add3A_6, %mul3A_2 : i32
    %add3A_8 = arith.constant 0 : i32
    %add3A_9 = arith.addi %add3A_7, %add3A_8 : i32
    %multiple_of3A = tpu.assume_multiple %add3A_9, 8 : i32
    %dma_start3A_10 = tpu.memref_slice %arg3[%multiple_of3A] : memref<640000xi32, #tpu.memory_space<hbm>> -> memref<80xi32, #tpu.memory_space<hbm>>
    %dma_start3A_11 = tpu.memref_slice %arg3[%multiple_of3A] : memref<640000xi32, #tpu.memory_space<hbm>> -> memref<80xi32, #tpu.memory_space<hbm>>
    tpu.enqueue_dma source(%dma_start3A_11 : memref<80xi32, #tpu.memory_space<hbm>>) target(%arg6 : memref<80xi32, #tpu.memory_space<vmem>>) target_semaphore(%arg17 : memref<!tpu.dma_semaphore, #tpu.memory_space<semaphore_mem>>)
    %add3A_12 = arith.constant 320000 : i32
    %add3A_13 = arith.addi %add3A_12, %mul3A_2 : i32
    %add3A_14 = arith.constant 80 : i32
    %add3A_15 = arith.addi %add3A_13, %add3A_14 : i32
    %multiple_of3A_16 = tpu.assume_multiple %add3A_15, 8 : i32
    %dma_start3A_17 = tpu.memref_slice %arg3[%multiple_of3A_16] : memref<640000xi32, #tpu.memory_space<hbm>> -> memref<80xi32, #tpu.memory_space<hbm>>
    %dma_start3A_18 = tpu.memref_slice %arg3[%multiple_of3A_16] : memref<640000xi32, #tpu.memory_space<hbm>> -> memref<80xi32, #tpu.memory_space<hbm>>
    tpu.enqueue_dma source(%dma_start3A_18 : memref<80xi32, #tpu.memory_space<hbm>>) target(%arg7 : memref<80xi32, #tpu.memory_space<vmem>>) target_semaphore(%arg18 : memref<!tpu.dma_semaphore, #tpu.memory_space<semaphore_mem>>)
    %add3A_19 = arith.constant 320000 : i32
    %add3A_20 = arith.addi %add3A_19, %mul3A_2 : i32
    %add3A_21 = arith.constant 160 : i32
    %add3A_22 = arith.addi %add3A_20, %add3A_21 : i32
    %multiple_of3A_23 = tpu.assume_multiple %add3A_22, 8 : i32
    %dma_start3A_24 = tpu.memref_slice %arg3[%multiple_of3A_23] : memref<640000xi32, #tpu.memory_space<hbm>> -> memref<80xi32, #tpu.memory_space<hbm>>
    %dma_start3A_25 = tpu.memref_slice %arg3[%multiple_of3A_23] : memref<640000xi32, #tpu.memory_space<hbm>> -> memref<80xi32, #tpu.memory_space<hbm>>
    tpu.enqueue_dma source(%dma_start3A_25 : memref<80xi32, #tpu.memory_space<hbm>>) target(%arg8 : memref<80xi32, #tpu.memory_space<vmem>>) target_semaphore(%arg19 : memref<!tpu.dma_semaphore, #tpu.memory_space<semaphore_mem>>)
    %broadcast_in_dim3A = arith.constant 0.000000e+00 : f32
    %broadcast_in_dim3A_26 = vector.broadcast %broadcast_in_dim3A : f32 to vector<1x16xf32>
    %scan3A = arith.constant 0 : i32
    %scan3A_27 = arith.constant 80 : i32
    %scan3A_28 = arith.addi %scan3A, %scan3A_27 : i32
    %scan3A_29 = arith.constant 1 : i32
    scf.for %scan3A_186 = %scan3A to %scan3A_28 step %scan3A_29  : i32 {
      %mul3A_187 = arith.constant 1 : i32
      %mul3A_188 = arith.muli %scan3A_186, %mul3A_187 : i32
      %add3A_189 = arith.constant 0 : i32
      %add3A_190 = arith.addi %add3A_189, %mul3A_188 : i32
      %scan3A_191 = arith.constant 0 : i32
      %scan3A_192 = arith.constant 8 : i32
      %scan3A_193 = arith.addi %scan3A_191, %scan3A_192 : i32
      %scan3A_194 = arith.constant 1 : i32
      scf.for %scan3A_196 = %scan3A_191 to %scan3A_193 step %scan3A_194  : i32 {
        %mul3A_197 = arith.constant 16 : i32
        %mul3A_198 = arith.muli %scan3A_196, %mul3A_197 : i32
        %add3A_199 = arith.constant 0 : i32
        %add3A_200 = arith.addi %add3A_199, %mul3A_198 : i32
        %swap3A = arith.index_cast %add3A_190 : i32 to index
        %swap3A_201 = arith.index_cast %add3A_200 : i32 to index
        %swap3A_202 = tpu.vector_load %arg9[%swap3A, %swap3A_201] {strides = array<i32>} : memref<80x128xf32, #tpu.memory_space<vmem>>, vector<1x16xf32>,
        %swap3A_203 = vector.shape_cast %swap3A_202 : vector<1x16xf32> to vector<1x16xf32>
        %swap3A_204 = vector.shape_cast %broadcast_in_dim3A_26 : vector<1x16xf32> to vector<1x16xf32>
        tpu.vector_store %arg9[%swap3A, %swap3A_201], %swap3A_204 {strides = array<i32>} : memref<80x128xf32, #tpu.memory_space<vmem>>, vector<1x16xf32>,
      }
      %scan3A_195 = arith.constant 8 : i32
    }
    %scan3A_30 = arith.constant 80 : i32
    %scan3A_31 = arith.constant 0 : i32
    %scan3A_32 = arith.constant 8 : i32
    %scan3A_33 = arith.addi %scan3A_31, %scan3A_32 : i32
    %scan3A_34 = arith.constant 1 : i32
    scf.for %scan3A_186 = %scan3A_31 to %scan3A_33 step %scan3A_34  : i32 {
      %mul3A_187 = arith.constant 1 : i32
      %mul3A_188 = arith.muli %scan3A_186, %mul3A_187 : i32
      %add3A_189 = arith.constant 0 : i32
      %add3A_190 = arith.addi %add3A_189, %mul3A_188 : i32
      %mul3A_191 = arith.constant 640 : i32
      %mul3A_192 = arith.muli %arg1, %mul3A_191 : i32
      %mul3A_193 = arith.constant 80 : i32
      %mul3A_194 = arith.muli %add3A_190, %mul3A_193 : i32
      %add3A_195 = arith.addi %mul3A_192, %mul3A_194 : i32
      "tpu.region"() ({
        %run_scoped3A = tpu.sem_alloc : memref<!tpu.dma_semaphore, #tpu.memory_space<semaphore_mem>>
        %dma_start3A_196 = arith.constant 0 : i32
        %dma_start3A_197 = tpu.memref_slice %arg12[%add3A_195, %dma_start3A_196] : memref<10240x128xf32, #tpu.memory_space<vmem_shared>> -> memref<80x128xf32, #tpu.memory_space<vmem_shared>>
        %dma_start3A_198 = arith.constant 0 : i32
        %dma_start3A_199 = tpu.memref_slice %arg12[%add3A_195, %dma_start3A_198] : memref<10240x128xf32, #tpu.memory_space<vmem_shared>> -> memref<80x128xf32, #tpu.memory_space<vmem_shared>>
        tpu.enqueue_dma source(%arg9 : memref<80x128xf32, #tpu.memory_space<vmem>>) target(%dma_start3A_199 : memref<80x128xf32, #tpu.memory_space<vmem_shared>>) target_semaphore(%run_scoped3A : memref<!tpu.dma_semaphore, #tpu.memory_space<semaphore_mem>>)
        %dma_wait3A_200 = arith.constant 0 : i32
        %dma_wait3A_201 = tpu.memref_slice %arg12[%add3A_195, %dma_wait3A_200] : memref<10240x128xf32, #tpu.memory_space<vmem_shared>> -> memref<80x128xf32, #tpu.memory_space<vmem_shared>>
        %dma_wait3A_202 = arith.constant 0 : i32
        %dma_wait3A_203 = tpu.memref_slice %arg12[%add3A_195, %dma_wait3A_202] : memref<10240x128xf32, #tpu.memory_space<vmem_shared>> -> memref<80x128xf32, #tpu.memory_space<vmem_shared>>
        tpu.wait_dma2 semaphore(%run_scoped3A : memref<!tpu.dma_semaphore, #tpu.memory_space<semaphore_mem>>) src(%arg9 : memref<80x128xf32, #tpu.memory_space<vmem>>) dst(%dma_wait3A_203 : memref<80x128xf32, #tpu.memory_space<vmem_shared>>)
        tpu.yield
      }) : () -> ()
    }
    %scan3A_35 = arith.constant 8 : i32
    %dma_wait3A = tpu.memref_slice %arg3[%mul3A_4] : memref<640000xi32, #tpu.memory_space<hbm>> -> memref<10000xi32, #tpu.memory_space<hbm>>
    %dma_wait3A_36 = tpu.memref_slice %arg3[%mul3A_4] : memref<640000xi32, #tpu.memory_space<hbm>> -> memref<10000xi32, #tpu.memory_space<hbm>>
    tpu.wait_dma2 semaphore(%arg13 : memref<!tpu.dma_semaphore, #tpu.memory_space<semaphore_mem>>) src(%dma_wait3A_36 : memref<10000xi32, #tpu.memory_space<hbm>>) dst(%arg5 : memref<10000xi32, #tpu.memory_space<vmem>>)
    %barrier3A = arith.constant 0 : index
    tpu.barrier barrier_id(%barrier3A)
    %multiple_of3A_37 = arith.constant 0 : i32
    %multiple_of3A_38 = tpu.assume_multiple %multiple_of3A_37, 8 : i32
    %dma_start3A_39 = tpu.memref_slice %arg5[%multiple_of3A_38] : memref<10000xi32, #tpu.memory_space<vmem>> -> memref<80xi32, #tpu.memory_space<vmem>>
    %dma_start3A_40 = arith.constant 0 : i32
    %dma_start3A_41 = arith.constant 0 : i32
    %dma_start3A_42 = tpu.memref_slice %arg2[%dma_start3A_40, %dma_start3A_41] : memref<10000x128xf32, #tpu.memory_space<hbm>> -> memref<10000x128xf32, #tpu.memory_space<hbm>>
    tpu.enqueue_indirect_dma source(%dma_start3A_42 : memref<10000x128xf32, #tpu.memory_space<hbm>>) target(%arg9 : memref<80x128xf32, #tpu.memory_space<vmem>>) offsets(%dma_start3A_39 : memref<80xi32, #tpu.memory_space<vmem>>) semaphore(%arg14 : memref<!tpu.dma_semaphore, #tpu.memory_space<semaphore_mem>>)
    %multiple_of3A_43 = arith.constant 80 : i32
    %multiple_of3A_44 = tpu.assume_multiple %multiple_of3A_43, 8 : i32
    %dma_start3A_45 = tpu.memref_slice %arg5[%multiple_of3A_44] : memref<10000xi32, #tpu.memory_space<vmem>> -> memref<80xi32, #tpu.memory_space<vmem>>
    %dma_start3A_46 = arith.constant 0 : i32
    %dma_start3A_47 = arith.constant 0 : i32
    %dma_start3A_48 = tpu.memref_slice %arg2[%dma_start3A_46, %dma_start3A_47] : memref<10000x128xf32, #tpu.memory_space<hbm>> -> memref<10000x128xf32, #tpu.memory_space<hbm>>
    tpu.enqueue_indirect_dma source(%dma_start3A_48 : memref<10000x128xf32, #tpu.memory_space<hbm>>) target(%arg10 : memref<80x128xf32, #tpu.memory_space<vmem>>) offsets(%dma_start3A_45 : memref<80xi32, #tpu.memory_space<vmem>>) semaphore(%arg15 : memref<!tpu.dma_semaphore, #tpu.memory_space<semaphore_mem>>)
    %multiple_of3A_49 = arith.constant 160 : i32
    %multiple_of3A_50 = tpu.assume_multiple %multiple_of3A_49, 8 : i32
    %dma_start3A_51 = tpu.memref_slice %arg5[%multiple_of3A_50] : memref<10000xi32, #tpu.memory_space<vmem>> -> memref<80xi32, #tpu.memory_space<vmem>>
    %dma_start3A_52 = arith.constant 0 : i32
    %dma_start3A_53 = arith.constant 0 : i32
    %dma_start3A_54 = tpu.memref_slice %arg2[%dma_start3A_52, %dma_start3A_53] : memref<10000x128xf32, #tpu.memory_space<hbm>> -> memref<10000x128xf32, #tpu.memory_space<hbm>>
    tpu.enqueue_indirect_dma source(%dma_start3A_54 : memref<10000x128xf32, #tpu.memory_space<hbm>>) target(%arg11 : memref<80x128xf32, #tpu.memory_space<vmem>>) offsets(%dma_start3A_51 : memref<80xi32, #tpu.memory_space<vmem>>) semaphore(%arg16 : memref<!tpu.dma_semaphore, #tpu.memory_space<semaphore_mem>>)
    %multiple_of3A_55 = arith.constant 0 : i32
    %multiple_of3A_56 = tpu.assume_multiple %multiple_of3A_55, 8 : i32
    %dma_wait3A_57 = tpu.memref_slice %arg5[%multiple_of3A_56] : memref<10000xi32, #tpu.memory_space<vmem>> -> memref<80xi32, #tpu.memory_space<vmem>>
    %dma_wait3A_58 = arith.constant 0 : i32
    %dma_wait3A_59 = arith.constant 0 : i32
    %dma_wait3A_60 = tpu.memref_slice %arg2[%dma_wait3A_58, %dma_wait3A_59] : memref<10000x128xf32, #tpu.memory_space<hbm>> -> memref<10000x128xf32, #tpu.memory_space<hbm>>
    tpu.wait_indirect_dma semaphore(%arg14 : memref<!tpu.dma_semaphore, #tpu.memory_space<semaphore_mem>>) src(%dma_wait3A_60 : memref<10000x128xf32, #tpu.memory_space<hbm>>) dst(%arg9 : memref<80x128xf32, #tpu.memory_space<vmem>>)
    %add3A_61 = arith.constant 320000 : i32
    %add3A_62 = arith.addi %add3A_61, %mul3A_2 : i32
    %add3A_63 = arith.constant 0 : i32
    %add3A_64 = arith.addi %add3A_62, %add3A_63 : i32
    %multiple_of3A_65 = tpu.assume_multiple %add3A_64, 8 : i32
    %dma_wait3A_66 = tpu.memref_slice %arg3[%multiple_of3A_65] : memref<640000xi32, #tpu.memory_space<hbm>> -> memref<80xi32, #tpu.memory_space<hbm>>
    %dma_wait3A_67 = tpu.memref_slice %arg3[%multiple_of3A_65] : memref<640000xi32, #tpu.memory_space<hbm>> -> memref<80xi32, #tpu.memory_space<hbm>>
    tpu.wait_dma2 semaphore(%arg17 : memref<!tpu.dma_semaphore, #tpu.memory_space<semaphore_mem>>) src(%dma_wait3A_67 : memref<80xi32, #tpu.memory_space<hbm>>) dst(%arg6 : memref<80xi32, #tpu.memory_space<vmem>>)
    %dma_start3A_68 = arith.constant 0 : i32
    %dma_start3A_69 = arith.constant 0 : i32
    %dma_start3A_70 = tpu.memref_slice %arg12[%dma_start3A_68, %dma_start3A_69] : memref<10240x128xf32, #tpu.memory_space<vmem_shared>> -> memref<10240x128xf32, #tpu.memory_space<vmem_shared>>
    tpu.enqueue_indirect_dma source(%arg9 : memref<80x128xf32, #tpu.memory_space<vmem>>) target(%dma_start3A_70 : memref<10240x128xf32, #tpu.memory_space<vmem_shared>>) offsets(%arg6 : memref<80xi32, #tpu.memory_space<vmem>>) semaphore(%arg20 : memref<!tpu.dma_semaphore, #tpu.memory_space<semaphore_mem>>) {add = true}
    %scan3A_71 = arith.constant 0 : i32
    %scan3A_72 = arith.constant 40 : i32
    %scan3A_73 = arith.addi %scan3A_71, %scan3A_72 : i32
    %scan3A_74 = arith.constant 1 : i32
    scf.for %scan3A_186 = %scan3A_71 to %scan3A_73 step %scan3A_74  : i32 {
      %mul3A_187 = arith.constant 1 : i32
      %mul3A_188 = arith.muli %scan3A_186, %mul3A_187 : i32
      %add3A_189 = arith.constant 0 : i32
      %add3A_190 = arith.addi %add3A_189, %mul3A_188 : i32
      %mul3A_191 = arith.constant 3 : i32
      %mul3A_192 = arith.muli %mul3A_191, %add3A_190 : i32
      %add3A_193 = arith.constant 1 : i32
      %add3A_194 = arith.addi %mul3A_192, %add3A_193 : i32
      %dma_wait3A_195 = arith.constant 0 : i32
      %dma_wait3A_196 = arith.constant 0 : i32
      %dma_wait3A_197 = tpu.memref_slice %arg12[%dma_wait3A_195, %dma_wait3A_196] : memref<10240x128xf32, #tpu.memory_space<vmem_shared>> -> memref<10240x128xf32, #tpu.memory_space<vmem_shared>>
      tpu.wait_indirect_dma semaphore(%arg20 : memref<!tpu.dma_semaphore, #tpu.memory_space<semaphore_mem>>) src(%arg9 : memref<80x128xf32, #tpu.memory_space<vmem>>) dst(%dma_wait3A_197 : memref<10240x128xf32, #tpu.memory_space<vmem_shared>>)
      %add3A_198 = arith.constant 2 : i32
      %add3A_199 = arith.addi %add3A_194, %add3A_198 : i32
      %add3A_200 = arith.constant 320000 : i32
      %add3A_201 = arith.addi %add3A_200, %mul3A_2 : i32
      %mul3A_202 = arith.constant 80 : i32
      %mul3A_203 = arith.muli %add3A_199, %mul3A_202 : i32
      %add3A_204 = arith.addi %add3A_201, %mul3A_203 : i32
      %multiple_of3A_205 = tpu.assume_multiple %add3A_204, 8 : i32
      %dma_start3A_206 = tpu.memref_slice %arg3[%multiple_of3A_205] : memref<640000xi32, #tpu.memory_space<hbm>> -> memref<80xi32, #tpu.memory_space<hbm>>
      %dma_start3A_207 = tpu.memref_slice %arg3[%multiple_of3A_205] : memref<640000xi32, #tpu.memory_space<hbm>> -> memref<80xi32, #tpu.memory_space<hbm>>
      tpu.enqueue_dma source(%dma_start3A_207 : memref<80xi32, #tpu.memory_space<hbm>>) target(%arg6 : memref<80xi32, #tpu.memory_space<vmem>>) target_semaphore(%arg17 : memref<!tpu.dma_semaphore, #tpu.memory_space<semaphore_mem>>)
      %add3A_208 = arith.constant 2 : i32
      %add3A_209 = arith.addi %add3A_194, %add3A_208 : i32
      %mul3A_210 = arith.constant 80 : i32
      %mul3A_211 = arith.muli %add3A_209, %mul3A_210 : i32
      %multiple_of3A_212 = tpu.assume_multiple %mul3A_211, 8 : i32
      %dma_start3A_213 = tpu.memref_slice %arg5[%multiple_of3A_212] : memref<10000xi32, #tpu.memory_space<vmem>> -> memref<80xi32, #tpu.memory_space<vmem>>
      %dma_start3A_214 = arith.constant 0 : i32
      %dma_start3A_215 = arith.constant 0 : i32
      %dma_start3A_216 = tpu.memref_slice %arg2[%dma_start3A_214, %dma_start3A_215] : memref<10000x128xf32, #tpu.memory_space<hbm>> -> memref<10000x128xf32, #tpu.memory_space<hbm>>
      tpu.enqueue_indirect_dma source(%dma_start3A_216 : memref<10000x128xf32, #tpu.memory_space<hbm>>) target(%arg9 : memref<80x128xf32, #tpu.memory_space<vmem>>) offsets(%dma_start3A_213 : memref<80xi32, #tpu.memory_space<vmem>>) semaphore(%arg14 : memref<!tpu.dma_semaphore, #tpu.memory_space<semaphore_mem>>)
      %mul3A_217 = arith.constant 80 : i32
      %mul3A_218 = arith.muli %add3A_194, %mul3A_217 : i32
      %multiple_of3A_219 = tpu.assume_multiple %mul3A_218, 8 : i32
      %dma_wait3A_220 = tpu.memref_slice %arg5[%multiple_of3A_219] : memref<10000xi32, #tpu.memory_space<vmem>> -> memref<80xi32, #tpu.memory_space<vmem>>
      %dma_wait3A_221 = arith.constant 0 : i32
      %dma_wait3A_222 = arith.constant 0 : i32
      %dma_wait3A_223 = tpu.memref_slice %arg2[%dma_wait3A_221, %dma_wait3A_222] : memref<10000x128xf32, #tpu.memory_space<hbm>> -> memref<10000x128xf32, #tpu.memory_space<hbm>>
      tpu.wait_indirect_dma semaphore(%arg15 : memref<!tpu.dma_semaphore, #tpu.memory_space<semaphore_mem>>) src(%dma_wait3A_223 : memref<10000x128xf32, #tpu.memory_space<hbm>>) dst(%arg10 : memref<80x128xf32, #tpu.memory_space<vmem>>)
      %add3A_224 = arith.constant 320000 : i32
      %add3A_225 = arith.addi %add3A_224, %mul3A_2 : i32
      %mul3A_226 = arith.constant 80 : i32
      %mul3A_227 = arith.muli %add3A_194, %mul3A_226 : i32
      %add3A_228 = arith.addi %add3A_225, %mul3A_227 : i32
      %multiple_of3A_229 = tpu.assume_multiple %add3A_228, 8 : i32
      %dma_wait3A_230 = tpu.memref_slice %arg3[%multiple_of3A_229] : memref<640000xi32, #tpu.memory_space<hbm>> -> memref<80xi32, #tpu.memory_space<hbm>>
      %dma_wait3A_231 = tpu.memref_slice %arg3[%multiple_of3A_229] : memref<640000xi32, #tpu.memory_space<hbm>> -> memref<80xi32, #tpu.memory_space<hbm>>
      tpu.wait_dma2 semaphore(%arg18 : memref<!tpu.dma_semaphore, #tpu.memory_space<semaphore_mem>>) src(%dma_wait3A_231 : memref<80xi32, #tpu.memory_space<hbm>>) dst(%arg7 : memref<80xi32, #tpu.memory_space<vmem>>)
      %dma_start3A_232 = arith.constant 0 : i32
      %dma_start3A_233 = arith.constant 0 : i32
      %dma_start3A_234 = tpu.memref_slice %arg12[%dma_start3A_232, %dma_start3A_233] : memref<10240x128xf32, #tpu.memory_space<vmem_shared>> -> memref<10240x128xf32, #tpu.memory_space<vmem_shared>>
      tpu.enqueue_indirect_dma source(%arg10 : memref<80x128xf32, #tpu.memory_space<vmem>>) target(%dma_start3A_234 : memref<10240x128xf32, #tpu.memory_space<vmem_shared>>) offsets(%arg7 : memref<80xi32, #tpu.memory_space<vmem>>) semaphore(%arg21 : memref<!tpu.dma_semaphore, #tpu.memory_space<semaphore_mem>>) {add = true}
      %add3A_235 = arith.constant 2 : i32
      %add3A_236 = arith.addi %mul3A_192, %add3A_235 : i32
      %dma_wait3A_237 = arith.constant 0 : i32
      %dma_wait3A_238 = arith.constant 0 : i32
      %dma_wait3A_239 = tpu.memref_slice %arg12[%dma_wait3A_237, %dma_wait3A_238] : memref<10240x128xf32, #tpu.memory_space<vmem_shared>> -> memref<10240x128xf32, #tpu.memory_space<vmem_shared>>
      tpu.wait_indirect_dma semaphore(%arg21 : memref<!tpu.dma_semaphore, #tpu.memory_space<semaphore_mem>>) src(%arg10 : memref<80x128xf32, #tpu.memory_space<vmem>>) dst(%dma_wait3A_239 : memref<10240x128xf32, #tpu.memory_space<vmem_shared>>)
      %add3A_240 = arith.constant 2 : i32
      %add3A_241 = arith.addi %add3A_236, %add3A_240 : i32
      %add3A_242 = arith.constant 320000 : i32
      %add3A_243 = arith.addi %add3A_242, %mul3A_2 : i32
      %mul3A_244 = arith.constant 80 : i32
      %mul3A_245 = arith.muli %add3A_241, %mul3A_244 : i32
      %add3A_246 = arith.addi %add3A_243, %mul3A_245 : i32
      %multiple_of3A_247 = tpu.assume_multiple %add3A_246, 8 : i32
      %dma_start3A_248 = tpu.memref_slice %arg3[%multiple_of3A_247] : memref<640000xi32, #tpu.memory_space<hbm>> -> memref<80xi32, #tpu.memory_space<hbm>>
      %dma_start3A_249 = tpu.memref_slice %arg3[%multiple_of3A_247] : memref<640000xi32, #tpu.memory_space<hbm>> -> memref<80xi32, #tpu.memory_space<hbm>>
      tpu.enqueue_dma source(%dma_start3A_249 : memref<80xi32, #tpu.memory_space<hbm>>) target(%arg7 : memref<80xi32, #tpu.memory_space<vmem>>) target_semaphore(%arg18 : memref<!tpu.dma_semaphore, #tpu.memory_space<semaphore_mem>>)
      %add3A_250 = arith.constant 2 : i32
      %add3A_251 = arith.addi %add3A_236, %add3A_250 : i32
      %mul3A_252 = arith.constant 80 : i32
      %mul3A_253 = arith.muli %add3A_251, %mul3A_252 : i32
      %multiple_of3A_254 = tpu.assume_multiple %mul3A_253, 8 : i32
      %dma_start3A_255 = tpu.memref_slice %arg5[%multiple_of3A_254] : memref<10000xi32, #tpu.memory_space<vmem>> -> memref<80xi32, #tpu.memory_space<vmem>>
      %dma_start3A_256 = arith.constant 0 : i32
      %dma_start3A_257 = arith.constant 0 : i32
      %dma_start3A_258 = tpu.memref_slice %arg2[%dma_start3A_256, %dma_start3A_257] : memref<10000x128xf32, #tpu.memory_space<hbm>> -> memref<10000x128xf32, #tpu.memory_space<hbm>>
      tpu.enqueue_indirect_dma source(%dma_start3A_258 : memref<10000x128xf32, #tpu.memory_space<hbm>>) target(%arg10 : memref<80x128xf32, #tpu.memory_space<vmem>>) offsets(%dma_start3A_255 : memref<80xi32, #tpu.memory_space<vmem>>) semaphore(%arg15 : memref<!tpu.dma_semaphore, #tpu.memory_space<semaphore_mem>>)
      %mul3A_259 = arith.constant 80 : i32
      %mul3A_260 = arith.muli %add3A_236, %mul3A_259 : i32
      %multiple_of3A_261 = tpu.assume_multiple %mul3A_260, 8 : i32
      %dma_wait3A_262 = tpu.memref_slice %arg5[%multiple_of3A_261] : memref<10000xi32, #tpu.memory_space<vmem>> -> memref<80xi32, #tpu.memory_space<vmem>>
      %dma_wait3A_263 = arith.constant 0 : i32
      %dma_wait3A_264 = arith.constant 0 : i32
      %dma_wait3A_265 = tpu.memref_slice %arg2[%dma_wait3A_263, %dma_wait3A_264] : memref<10000x128xf32, #tpu.memory_space<hbm>> -> memref<10000x128xf32, #tpu.memory_space<hbm>>
      tpu.wait_indirect_dma semaphore(%arg16 : memref<!tpu.dma_semaphore, #tpu.memory_space<semaphore_mem>>) src(%dma_wait3A_265 : memref<10000x128xf32, #tpu.memory_space<hbm>>) dst(%arg11 : memref<80x128xf32, #tpu.memory_space<vmem>>)
      %add3A_266 = arith.constant 320000 : i32
      %add3A_267 = arith.addi %add3A_266, %mul3A_2 : i32
      %mul3A_268 = arith.constant 80 : i32
      %mul3A_269 = arith.muli %add3A_236, %mul3A_268 : i32
      %add3A_270 = arith.addi %add3A_267, %mul3A_269 : i32
      %multiple_of3A_271 = tpu.assume_multiple %add3A_270, 8 : i32
      %dma_wait3A_272 = tpu.memref_slice %arg3[%multiple_of3A_271] : memref<640000xi32, #tpu.memory_space<hbm>> -> memref<80xi32, #tpu.memory_space<hbm>>
      %dma_wait3A_273 = tpu.memref_slice %arg3[%multiple_of3A_271] : memref<640000xi32, #tpu.memory_space<hbm>> -> memref<80xi32, #tpu.memory_space<hbm>>
      tpu.wait_dma2 semaphore(%arg19 : memref<!tpu.dma_semaphore, #tpu.memory_space<semaphore_mem>>) src(%dma_wait3A_273 : memref<80xi32, #tpu.memory_space<hbm>>) dst(%arg8 : memref<80xi32, #tpu.memory_space<vmem>>)
      %dma_start3A_274 = arith.constant 0 : i32
      %dma_start3A_275 = arith.constant 0 : i32
      %dma_start3A_276 = tpu.memref_slice %arg12[%dma_start3A_274, %dma_start3A_275] : memref<10240x128xf32, #tpu.memory_space<vmem_shared>> -> memref<10240x128xf32, #tpu.memory_space<vmem_shared>>
      tpu.enqueue_indirect_dma source(%arg11 : memref<80x128xf32, #tpu.memory_space<vmem>>) target(%dma_start3A_276 : memref<10240x128xf32, #tpu.memory_space<vmem_shared>>) offsets(%arg8 : memref<80xi32, #tpu.memory_space<vmem>>) semaphore(%arg22 : memref<!tpu.dma_semaphore, #tpu.memory_space<semaphore_mem>>) {add = true}
      %add3A_277 = arith.constant 3 : i32
      %add3A_278 = arith.addi %mul3A_192, %add3A_277 : i32
      %dma_wait3A_279 = arith.constant 0 : i32
      %dma_wait3A_280 = arith.constant 0 : i32
      %dma_wait3A_281 = tpu.memref_slice %arg12[%dma_wait3A_279, %dma_wait3A_280] : memref<10240x128xf32, #tpu.memory_space<vmem_shared>> -> memref<10240x128xf32, #tpu.memory_space<vmem_shared>>
      tpu.wait_indirect_dma semaphore(%arg22 : memref<!tpu.dma_semaphore, #tpu.memory_space<semaphore_mem>>) src(%arg11 : memref<80x128xf32, #tpu.memory_space<vmem>>) dst(%dma_wait3A_281 : memref<10240x128xf32, #tpu.memory_space<vmem_shared>>)
      %add3A_282 = arith.constant 2 : i32
      %add3A_283 = arith.addi %add3A_278, %add3A_282 : i32
      %add3A_284 = arith.constant 320000 : i32
      %add3A_285 = arith.addi %add3A_284, %mul3A_2 : i32
      %mul3A_286 = arith.constant 80 : i32
      %mul3A_287 = arith.muli %add3A_283, %mul3A_286 : i32
      %add3A_288 = arith.addi %add3A_285, %mul3A_287 : i32
      %multiple_of3A_289 = tpu.assume_multiple %add3A_288, 8 : i32
      %dma_start3A_290 = tpu.memref_slice %arg3[%multiple_of3A_289] : memref<640000xi32, #tpu.memory_space<hbm>> -> memref<80xi32, #tpu.memory_space<hbm>>
      %dma_start3A_291 = tpu.memref_slice %arg3[%multiple_of3A_289] : memref<640000xi32, #tpu.memory_space<hbm>> -> memref<80xi32, #tpu.memory_space<hbm>>
      tpu.enqueue_dma source(%dma_start3A_291 : memref<80xi32, #tpu.memory_space<hbm>>) target(%arg8 : memref<80xi32, #tpu.memory_space<vmem>>) target_semaphore(%arg19 : memref<!tpu.dma_semaphore, #tpu.memory_space<semaphore_mem>>)
      %add3A_292 = arith.constant 2 : i32
      %add3A_293 = arith.addi %add3A_278, %add3A_292 : i32
      %mul3A_294 = arith.constant 80 : i32
      %mul3A_295 = arith.muli %add3A_293, %mul3A_294 : i32
      %multiple_of3A_296 = tpu.assume_multiple %mul3A_295, 8 : i32
      %dma_start3A_297 = tpu.memref_slice %arg5[%multiple_of3A_296] : memref<10000xi32, #tpu.memory_space<vmem>> -> memref<80xi32, #tpu.memory_space<vmem>>
      %dma_start3A_298 = arith.constant 0 : i32
      %dma_start3A_299 = arith.constant 0 : i32
      %dma_start3A_300 = tpu.memref_slice %arg2[%dma_start3A_298, %dma_start3A_299] : memref<10000x128xf32, #tpu.memory_space<hbm>> -> memref<10000x128xf32, #tpu.memory_space<hbm>>
      tpu.enqueue_indirect_dma source(%dma_start3A_300 : memref<10000x128xf32, #tpu.memory_space<hbm>>) target(%arg11 : memref<80x128xf32, #tpu.memory_space<vmem>>) offsets(%dma_start3A_297 : memref<80xi32, #tpu.memory_space<vmem>>) semaphore(%arg16 : memref<!tpu.dma_semaphore, #tpu.memory_space<semaphore_mem>>)
      %mul3A_301 = arith.constant 80 : i32
      %mul3A_302 = arith.muli %add3A_278, %mul3A_301 : i32
      %multiple_of3A_303 = tpu.assume_multiple %mul3A_302, 8 : i32
      %dma_wait3A_304 = tpu.memref_slice %arg5[%multiple_of3A_303] : memref<10000xi32, #tpu.memory_space<vmem>> -> memref<80xi32, #tpu.memory_space<vmem>>
      %dma_wait3A_305 = arith.constant 0 : i32
      %dma_wait3A_306 = arith.constant 0 : i32
      %dma_wait3A_307 = tpu.memref_slice %arg2[%dma_wait3A_305, %dma_wait3A_306] : memref<10000x128xf32, #tpu.memory_space<hbm>> -> memref<10000x128xf32, #tpu.memory_space<hbm>>
      tpu.wait_indirect_dma semaphore(%arg14 : memref<!tpu.dma_semaphore, #tpu.memory_space<semaphore_mem>>) src(%dma_wait3A_307 : memref<10000x128xf32, #tpu.memory_space<hbm>>) dst(%arg9 : memref<80x128xf32, #tpu.memory_space<vmem>>)
      %add3A_308 = arith.constant 320000 : i32
      %add3A_309 = arith.addi %add3A_308, %mul3A_2 : i32
      %mul3A_310 = arith.constant 80 : i32
      %mul3A_311 = arith.muli %add3A_278, %mul3A_310 : i32
      %add3A_312 = arith.addi %add3A_309, %mul3A_311 : i32
      %multiple_of3A_313 = tpu.assume_multiple %add3A_312, 8 : i32
      %dma_wait3A_314 = tpu.memref_slice %arg3[%multiple_of3A_313] : memref<640000xi32, #tpu.memory_space<hbm>> -> memref<80xi32, #tpu.memory_space<hbm>>
      %dma_wait3A_315 = tpu.memref_slice %arg3[%multiple_of3A_313] : memref<640000xi32, #tpu.memory_space<hbm>> -> memref<80xi32, #tpu.memory_space<hbm>>
      tpu.wait_dma2 semaphore(%arg17 : memref<!tpu.dma_semaphore, #tpu.memory_space<semaphore_mem>>) src(%dma_wait3A_315 : memref<80xi32, #tpu.memory_space<hbm>>) dst(%arg6 : memref<80xi32, #tpu.memory_space<vmem>>)
      %dma_start3A_316 = arith.constant 0 : i32
      %dma_start3A_317 = arith.constant 0 : i32
      %dma_start3A_318 = tpu.memref_slice %arg12[%dma_start3A_316, %dma_start3A_317] : memref<10240x128xf32, #tpu.memory_space<vmem_shared>> -> memref<10240x128xf32, #tpu.memory_space<vmem_shared>>
      tpu.enqueue_indirect_dma source(%arg9 : memref<80x128xf32, #tpu.memory_space<vmem>>) target(%dma_start3A_318 : memref<10240x128xf32, #tpu.memory_space<vmem_shared>>) offsets(%arg6 : memref<80xi32, #tpu.memory_space<vmem>>) semaphore(%arg20 : memref<!tpu.dma_semaphore, #tpu.memory_space<semaphore_mem>>) {add = true}
    }
    %scan3A_75 = arith.constant 40 : i32
    %dma_wait3A_76 = arith.constant 0 : i32
    %dma_wait3A_77 = arith.constant 0 : i32
    %dma_wait3A_78 = tpu.memref_slice %arg12[%dma_wait3A_76, %dma_wait3A_77] : memref<10240x128xf32, #tpu.memory_space<vmem_shared>> -> memref<10240x128xf32, #tpu.memory_space<vmem_shared>>
    tpu.wait_indirect_dma semaphore(%arg20 : memref<!tpu.dma_semaphore, #tpu.memory_space<semaphore_mem>>) src(%arg9 : memref<80x128xf32, #tpu.memory_space<vmem>>) dst(%dma_wait3A_78 : memref<10240x128xf32, #tpu.memory_space<vmem_shared>>)
    %add3A_79 = arith.constant 320000 : i32
    %add3A_80 = arith.addi %add3A_79, %mul3A_2 : i32
    %add3A_81 = arith.constant 9840 : i32
    %add3A_82 = arith.addi %add3A_80, %add3A_81 : i32
    %multiple_of3A_83 = tpu.assume_multiple %add3A_82, 8 : i32
    %dma_start3A_84 = tpu.memref_slice %arg3[%multiple_of3A_83] : memref<640000xi32, #tpu.memory_space<hbm>> -> memref<80xi32, #tpu.memory_space<hbm>>
    %dma_start3A_85 = tpu.memref_slice %arg3[%multiple_of3A_83] : memref<640000xi32, #tpu.memory_space<hbm>> -> memref<80xi32, #tpu.memory_space<hbm>>
    tpu.enqueue_dma source(%dma_start3A_85 : memref<80xi32, #tpu.memory_space<hbm>>) target(%arg6 : memref<80xi32, #tpu.memory_space<vmem>>) target_semaphore(%arg17 : memref<!tpu.dma_semaphore, #tpu.memory_space<semaphore_mem>>)
    %multiple_of3A_86 = arith.constant 9840 : i32
    %multiple_of3A_87 = tpu.assume_multiple %multiple_of3A_86, 8 : i32
    %dma_start3A_88 = tpu.memref_slice %arg5[%multiple_of3A_87] : memref<10000xi32, #tpu.memory_space<vmem>> -> memref<80xi32, #tpu.memory_space<vmem>>
    %dma_start3A_89 = arith.constant 0 : i32
    %dma_start3A_90 = arith.constant 0 : i32
    %dma_start3A_91 = tpu.memref_slice %arg2[%dma_start3A_89, %dma_start3A_90] : memref<10000x128xf32, #tpu.memory_space<hbm>> -> memref<10000x128xf32, #tpu.memory_space<hbm>>
    tpu.enqueue_indirect_dma source(%dma_start3A_91 : memref<10000x128xf32, #tpu.memory_space<hbm>>) target(%arg9 : memref<80x128xf32, #tpu.memory_space<vmem>>) offsets(%dma_start3A_88 : memref<80xi32, #tpu.memory_space<vmem>>) semaphore(%arg14 : memref<!tpu.dma_semaphore, #tpu.memory_space<semaphore_mem>>)
    %multiple_of3A_92 = arith.constant 9680 : i32
    %multiple_of3A_93 = tpu.assume_multiple %multiple_of3A_92, 8 : i32
    %dma_wait3A_94 = tpu.memref_slice %arg5[%multiple_of3A_93] : memref<10000xi32, #tpu.memory_space<vmem>> -> memref<80xi32, #tpu.memory_space<vmem>>
    %dma_wait3A_95 = arith.constant 0 : i32
    %dma_wait3A_96 = arith.constant 0 : i32
    %dma_wait3A_97 = tpu.memref_slice %arg2[%dma_wait3A_95, %dma_wait3A_96] : memref<10000x128xf32, #tpu.memory_space<hbm>> -> memref<10000x128xf32, #tpu.memory_space<hbm>>
    tpu.wait_indirect_dma semaphore(%arg15 : memref<!tpu.dma_semaphore, #tpu.memory_space<semaphore_mem>>) src(%dma_wait3A_97 : memref<10000x128xf32, #tpu.memory_space<hbm>>) dst(%arg10 : memref<80x128xf32, #tpu.memory_space<vmem>>)
    %add3A_98 = arith.constant 320000 : i32
    %add3A_99 = arith.addi %add3A_98, %mul3A_2 : i32
    %add3A_100 = arith.constant 9680 : i32
    %add3A_101 = arith.addi %add3A_99, %add3A_100 : i32
    %multiple_of3A_102 = tpu.assume_multiple %add3A_101, 8 : i32
    %dma_wait3A_103 = tpu.memref_slice %arg3[%multiple_of3A_102] : memref<640000xi32, #tpu.memory_space<hbm>> -> memref<80xi32, #tpu.memory_space<hbm>>
    %dma_wait3A_104 = tpu.memref_slice %arg3[%multiple_of3A_102] : memref<640000xi32, #tpu.memory_space<hbm>> -> memref<80xi32, #tpu.memory_space<hbm>>
    tpu.wait_dma2 semaphore(%arg18 : memref<!tpu.dma_semaphore, #tpu.memory_space<semaphore_mem>>) src(%dma_wait3A_104 : memref<80xi32, #tpu.memory_space<hbm>>) dst(%arg7 : memref<80xi32, #tpu.memory_space<vmem>>)
    %dma_start3A_105 = arith.constant 0 : i32
    %dma_start3A_106 = arith.constant 0 : i32
    %dma_start3A_107 = tpu.memref_slice %arg12[%dma_start3A_105, %dma_start3A_106] : memref<10240x128xf32, #tpu.memory_space<vmem_shared>> -> memref<10240x128xf32, #tpu.memory_space<vmem_shared>>
    tpu.enqueue_indirect_dma source(%arg10 : memref<80x128xf32, #tpu.memory_space<vmem>>) target(%dma_start3A_107 : memref<10240x128xf32, #tpu.memory_space<vmem_shared>>) offsets(%arg7 : memref<80xi32, #tpu.memory_space<vmem>>) semaphore(%arg21 : memref<!tpu.dma_semaphore, #tpu.memory_space<semaphore_mem>>) {add = true}
    %dma_wait3A_108 = arith.constant 0 : i32
    %dma_wait3A_109 = arith.constant 0 : i32
    %dma_wait3A_110 = tpu.memref_slice %arg12[%dma_wait3A_108, %dma_wait3A_109] : memref<10240x128xf32, #tpu.memory_space<vmem_shared>> -> memref<10240x128xf32, #tpu.memory_space<vmem_shared>>
    tpu.wait_indirect_dma semaphore(%arg21 : memref<!tpu.dma_semaphore, #tpu.memory_space<semaphore_mem>>) src(%arg10 : memref<80x128xf32, #tpu.memory_space<vmem>>) dst(%dma_wait3A_110 : memref<10240x128xf32, #tpu.memory_space<vmem_shared>>)
    %add3A_111 = arith.constant 320000 : i32
    %add3A_112 = arith.addi %add3A_111, %mul3A_2 : i32
    %add3A_113 = arith.constant 9920 : i32
    %add3A_114 = arith.addi %add3A_112, %add3A_113 : i32
    %multiple_of3A_115 = tpu.assume_multiple %add3A_114, 8 : i32
    %dma_start3A_116 = tpu.memref_slice %arg3[%multiple_of3A_115] : memref<640000xi32, #tpu.memory_space<hbm>> -> memref<80xi32, #tpu.memory_space<hbm>>
    %dma_start3A_117 = tpu.memref_slice %arg3[%multiple_of3A_115] : memref<640000xi32, #tpu.memory_space<hbm>> -> memref<80xi32, #tpu.memory_space<hbm>>
    tpu.enqueue_dma source(%dma_start3A_117 : memref<80xi32, #tpu.memory_space<hbm>>) target(%arg7 : memref<80xi32, #tpu.memory_space<vmem>>) target_semaphore(%arg18 : memref<!tpu.dma_semaphore, #tpu.memory_space<semaphore_mem>>)
    %multiple_of3A_118 = arith.constant 9920 : i32
    %multiple_of3A_119 = tpu.assume_multiple %multiple_of3A_118, 8 : i32
    %dma_start3A_120 = tpu.memref_slice %arg5[%multiple_of3A_119] : memref<10000xi32, #tpu.memory_space<vmem>> -> memref<80xi32, #tpu.memory_space<vmem>>
    %dma_start3A_121 = arith.constant 0 : i32
    %dma_start3A_122 = arith.constant 0 : i32
    %dma_start3A_123 = tpu.memref_slice %arg2[%dma_start3A_121, %dma_start3A_122] : memref<10000x128xf32, #tpu.memory_space<hbm>> -> memref<10000x128xf32, #tpu.memory_space<hbm>>
    tpu.enqueue_indirect_dma source(%dma_start3A_123 : memref<10000x128xf32, #tpu.memory_space<hbm>>) target(%arg10 : memref<80x128xf32, #tpu.memory_space<vmem>>) offsets(%dma_start3A_120 : memref<80xi32, #tpu.memory_space<vmem>>) semaphore(%arg15 : memref<!tpu.dma_semaphore, #tpu.memory_space<semaphore_mem>>)
    %multiple_of3A_124 = arith.constant 9760 : i32
    %multiple_of3A_125 = tpu.assume_multiple %multiple_of3A_124, 8 : i32
    %dma_wait3A_126 = tpu.memref_slice %arg5[%multiple_of3A_125] : memref<10000xi32, #tpu.memory_space<vmem>> -> memref<80xi32, #tpu.memory_space<vmem>>
    %dma_wait3A_127 = arith.constant 0 : i32
    %dma_wait3A_128 = arith.constant 0 : i32
    %dma_wait3A_129 = tpu.memref_slice %arg2[%dma_wait3A_127, %dma_wait3A_128] : memref<10000x128xf32, #tpu.memory_space<hbm>> -> memref<10000x128xf32, #tpu.memory_space<hbm>>
    tpu.wait_indirect_dma semaphore(%arg16 : memref<!tpu.dma_semaphore, #tpu.memory_space<semaphore_mem>>) src(%dma_wait3A_129 : memref<10000x128xf32, #tpu.memory_space<hbm>>) dst(%arg11 : memref<80x128xf32, #tpu.memory_space<vmem>>)
    %add3A_130 = arith.constant 320000 : i32
    %add3A_131 = arith.addi %add3A_130, %mul3A_2 : i32
    %add3A_132 = arith.constant 9760 : i32
    %add3A_133 = arith.addi %add3A_131, %add3A_132 : i32
    %multiple_of3A_134 = tpu.assume_multiple %add3A_133, 8 : i32
    %dma_wait3A_135 = tpu.memref_slice %arg3[%multiple_of3A_134] : memref<640000xi32, #tpu.memory_space<hbm>> -> memref<80xi32, #tpu.memory_space<hbm>>
    %dma_wait3A_136 = tpu.memref_slice %arg3[%multiple_of3A_134] : memref<640000xi32, #tpu.memory_space<hbm>> -> memref<80xi32, #tpu.memory_space<hbm>>
    tpu.wait_dma2 semaphore(%arg19 : memref<!tpu.dma_semaphore, #tpu.memory_space<semaphore_mem>>) src(%dma_wait3A_136 : memref<80xi32, #tpu.memory_space<hbm>>) dst(%arg8 : memref<80xi32, #tpu.memory_space<vmem>>)
    %dma_start3A_137 = arith.constant 0 : i32
    %dma_start3A_138 = arith.constant 0 : i32
    %dma_start3A_139 = tpu.memref_slice %arg12[%dma_start3A_137, %dma_start3A_138] : memref<10240x128xf32, #tpu.memory_space<vmem_shared>> -> memref<10240x128xf32, #tpu.memory_space<vmem_shared>>
    tpu.enqueue_indirect_dma source(%arg11 : memref<80x128xf32, #tpu.memory_space<vmem>>) target(%dma_start3A_139 : memref<10240x128xf32, #tpu.memory_space<vmem_shared>>) offsets(%arg8 : memref<80xi32, #tpu.memory_space<vmem>>) semaphore(%arg22 : memref<!tpu.dma_semaphore, #tpu.memory_space<semaphore_mem>>) {add = true}
    %multiple_of3A_140 = arith.constant 9840 : i32
    %multiple_of3A_141 = tpu.assume_multiple %multiple_of3A_140, 8 : i32
    %dma_wait3A_142 = tpu.memref_slice %arg5[%multiple_of3A_141] : memref<10000xi32, #tpu.memory_space<vmem>> -> memref<80xi32, #tpu.memory_space<vmem>>
    %dma_wait3A_143 = arith.constant 0 : i32
    %dma_wait3A_144 = arith.constant 0 : i32
    %dma_wait3A_145 = tpu.memref_slice %arg2[%dma_wait3A_143, %dma_wait3A_144] : memref<10000x128xf32, #tpu.memory_space<hbm>> -> memref<10000x128xf32, #tpu.memory_space<hbm>>
    tpu.wait_indirect_dma semaphore(%arg14 : memref<!tpu.dma_semaphore, #tpu.memory_space<semaphore_mem>>) src(%dma_wait3A_145 : memref<10000x128xf32, #tpu.memory_space<hbm>>) dst(%arg9 : memref<80x128xf32, #tpu.memory_space<vmem>>)
    %add3A_146 = arith.constant 320000 : i32
    %add3A_147 = arith.addi %add3A_146, %mul3A_2 : i32
    %add3A_148 = arith.constant 9840 : i32
    %add3A_149 = arith.addi %add3A_147, %add3A_148 : i32
    %multiple_of3A_150 = tpu.assume_multiple %add3A_149, 8 : i32
    %dma_wait3A_151 = tpu.memref_slice %arg3[%multiple_of3A_150] : memref<640000xi32, #tpu.memory_space<hbm>> -> memref<80xi32, #tpu.memory_space<hbm>>
    %dma_wait3A_152 = tpu.memref_slice %arg3[%multiple_of3A_150] : memref<640000xi32, #tpu.memory_space<hbm>> -> memref<80xi32, #tpu.memory_space<hbm>>
    tpu.wait_dma2 semaphore(%arg17 : memref<!tpu.dma_semaphore, #tpu.memory_space<semaphore_mem>>) src(%dma_wait3A_152 : memref<80xi32, #tpu.memory_space<hbm>>) dst(%arg6 : memref<80xi32, #tpu.memory_space<vmem>>)
    %dma_start3A_153 = arith.constant 0 : i32
    %dma_start3A_154 = arith.constant 0 : i32
    %dma_start3A_155 = tpu.memref_slice %arg12[%dma_start3A_153, %dma_start3A_154] : memref<10240x128xf32, #tpu.memory_space<vmem_shared>> -> memref<10240x128xf32, #tpu.memory_space<vmem_shared>>
    tpu.enqueue_indirect_dma source(%arg9 : memref<80x128xf32, #tpu.memory_space<vmem>>) target(%dma_start3A_155 : memref<10240x128xf32, #tpu.memory_space<vmem_shared>>) offsets(%arg6 : memref<80xi32, #tpu.memory_space<vmem>>) semaphore(%arg20 : memref<!tpu.dma_semaphore, #tpu.memory_space<semaphore_mem>>) {add = true}
    %multiple_of3A_156 = arith.constant 9920 : i32
    %multiple_of3A_157 = tpu.assume_multiple %multiple_of3A_156, 8 : i32
    %dma_wait3A_158 = tpu.memref_slice %arg5[%multiple_of3A_157] : memref<10000xi32, #tpu.memory_space<vmem>> -> memref<80xi32, #tpu.memory_space<vmem>>
    %dma_wait3A_159 = arith.constant 0 : i32
    %dma_wait3A_160 = arith.constant 0 : i32
    %dma_wait3A_161 = tpu.memref_slice %arg2[%dma_wait3A_159, %dma_wait3A_160] : memref<10000x128xf32, #tpu.memory_space<hbm>> -> memref<10000x128xf32, #tpu.memory_space<hbm>>
    tpu.wait_indirect_dma semaphore(%arg15 : memref<!tpu.dma_semaphore, #tpu.memory_space<semaphore_mem>>) src(%dma_wait3A_161 : memref<10000x128xf32, #tpu.memory_space<hbm>>) dst(%arg10 : memref<80x128xf32, #tpu.memory_space<vmem>>)
    %add3A_162 = arith.constant 320000 : i32
    %add3A_163 = arith.addi %add3A_162, %mul3A_2 : i32
    %add3A_164 = arith.constant 9920 : i32
    %add3A_165 = arith.addi %add3A_163, %add3A_164 : i32
    %multiple_of3A_166 = tpu.assume_multiple %add3A_165, 8 : i32
    %dma_wait3A_167 = tpu.memref_slice %arg3[%multiple_of3A_166] : memref<640000xi32, #tpu.memory_space<hbm>> -> memref<80xi32, #tpu.memory_space<hbm>>
    %dma_wait3A_168 = tpu.memref_slice %arg3[%multiple_of3A_166] : memref<640000xi32, #tpu.memory_space<hbm>> -> memref<80xi32, #tpu.memory_space<hbm>>
    tpu.wait_dma2 semaphore(%arg18 : memref<!tpu.dma_semaphore, #tpu.memory_space<semaphore_mem>>) src(%dma_wait3A_168 : memref<80xi32, #tpu.memory_space<hbm>>) dst(%arg7 : memref<80xi32, #tpu.memory_space<vmem>>)
    %dma_start3A_169 = arith.constant 0 : i32
    %dma_start3A_170 = arith.constant 0 : i32
    %dma_start3A_171 = tpu.memref_slice %arg12[%dma_start3A_169, %dma_start3A_170] : memref<10240x128xf32, #tpu.memory_space<vmem_shared>> -> memref<10240x128xf32, #tpu.memory_space<vmem_shared>>
    tpu.enqueue_indirect_dma source(%arg10 : memref<80x128xf32, #tpu.memory_space<vmem>>) target(%dma_start3A_171 : memref<10240x128xf32, #tpu.memory_space<vmem_shared>>) offsets(%arg7 : memref<80xi32, #tpu.memory_space<vmem>>) semaphore(%arg21 : memref<!tpu.dma_semaphore, #tpu.memory_space<semaphore_mem>>) {add = true}
    %dma_wait3A_172 = arith.constant 0 : i32
    %dma_wait3A_173 = arith.constant 0 : i32
    %dma_wait3A_174 = tpu.memref_slice %arg12[%dma_wait3A_172, %dma_wait3A_173] : memref<10240x128xf32, #tpu.memory_space<vmem_shared>> -> memref<10240x128xf32, #tpu.memory_space<vmem_shared>>
    tpu.wait_indirect_dma semaphore(%arg22 : memref<!tpu.dma_semaphore, #tpu.memory_space<semaphore_mem>>) src(%arg11 : memref<80x128xf32, #tpu.memory_space<vmem>>) dst(%dma_wait3A_174 : memref<10240x128xf32, #tpu.memory_space<vmem_shared>>)
    %dma_wait3A_175 = arith.constant 0 : i32
    %dma_wait3A_176 = arith.constant 0 : i32
    %dma_wait3A_177 = tpu.memref_slice %arg12[%dma_wait3A_175, %dma_wait3A_176] : memref<10240x128xf32, #tpu.memory_space<vmem_shared>> -> memref<10240x128xf32, #tpu.memory_space<vmem_shared>>
    tpu.wait_indirect_dma semaphore(%arg20 : memref<!tpu.dma_semaphore, #tpu.memory_space<semaphore_mem>>) src(%arg9 : memref<80x128xf32, #tpu.memory_space<vmem>>) dst(%dma_wait3A_177 : memref<10240x128xf32, #tpu.memory_space<vmem_shared>>)
    %dma_wait3A_178 = arith.constant 0 : i32
    %dma_wait3A_179 = arith.constant 0 : i32
    %dma_wait3A_180 = tpu.memref_slice %arg12[%dma_wait3A_178, %dma_wait3A_179] : memref<10240x128xf32, #tpu.memory_space<vmem_shared>> -> memref<10240x128xf32, #tpu.memory_space<vmem_shared>>
    tpu.wait_indirect_dma semaphore(%arg21 : memref<!tpu.dma_semaphore, #tpu.memory_space<semaphore_mem>>) src(%arg10 : memref<80x128xf32, #tpu.memory_space<vmem>>) dst(%dma_wait3A_180 : memref<10240x128xf32, #tpu.memory_space<vmem_shared>>)
    %barrier3A_181 = arith.constant 0 : index
    tpu.barrier barrier_id(%barrier3A_181)
    %mul3A_182 = arith.constant 640 : i32
    %mul3A_183 = arith.muli %arg1, %mul3A_182 : i32
    %mul3A_184 = arith.constant 640 : i32
    %mul3A_185 = arith.muli %arg1, %mul3A_184 : i32
    "tpu.region"() ({
      %run_scoped3A = tpu.sem_alloc : memref<!tpu.dma_semaphore, #tpu.memory_space<semaphore_mem>>
      %dma_start3A_186 = arith.constant 0 : i32
      %dma_start3A_187 = tpu.memref_slice %arg4[%arg0, %mul3A_185, %dma_start3A_186] : memref<2x10240x128xf32, #tpu.memory_space<hbm>> -> memref<1x640x128xf32, #tpu.memory_space<hbm>>
      %dma_start3A_188 = tpu.memref_squeeze %dma_start3A_187 : memref<1x640x128xf32, #tpu.memory_space<hbm>> -> memref<640x128xf32, #tpu.memory_space<hbm>>
      %dma_start3A_189 = arith.constant 0 : i32
      %dma_start3A_190 = tpu.memref_slice %arg12[%mul3A_183, %dma_start3A_189] : memref<10240x128xf32, #tpu.memory_space<vmem_shared>> -> memref<640x128xf32, #tpu.memory_space<vmem_shared>>
      tpu.enqueue_dma source(%dma_start3A_190 : memref<640x128xf32, #tpu.memory_space<vmem_shared>>) target(%dma_start3A_188 : memref<640x128xf32, #tpu.memory_space<hbm>>) target_semaphore(%run_scoped3A : memref<!tpu.dma_semaphore, #tpu.memory_space<semaphore_mem>>)
      %dma_wait3A_191 = arith.constant 0 : i32
      %dma_wait3A_192 = tpu.memref_slice %arg4[%arg0, %mul3A_185, %dma_wait3A_191] : memref<2x10240x128xf32, #tpu.memory_space<hbm>> -> memref<1x640x128xf32, #tpu.memory_space<hbm>>
      %dma_wait3A_193 = tpu.memref_squeeze %dma_wait3A_192 : memref<1x640x128xf32, #tpu.memory_space<hbm>> -> memref<640x128xf32, #tpu.memory_space<hbm>>
      %dma_wait3A_194 = arith.constant 0 : i32
      %dma_wait3A_195 = tpu.memref_slice %arg12[%mul3A_183, %dma_wait3A_194] : memref<10240x128xf32, #tpu.memory_space<vmem_shared>> -> memref<640x128xf32, #tpu.memory_space<vmem_shared>>
      tpu.wait_dma2 semaphore(%run_scoped3A : memref<!tpu.dma_semaphore, #tpu.memory_space<semaphore_mem>>) src(%dma_wait3A_195 : memref<640x128xf32, #tpu.memory_space<vmem_shared>>) dst(%dma_wait3A_193 : memref<640x128xf32, #tpu.memory_space<hbm>>)
      tpu.yield
    }) : () -> ()
    return
  }
}

module attributes {stable_mosaic.version = 14 : i64} {
  func.func @_mlp1_body(%arg0: i32, %arg1: memref<1000x128xf32, #tpu.memory_space<vmem>>, %arg2: memref<2x1000x128xf32, #tpu.memory_space<vmem>>, %arg3: memref<128x128xf32, #tpu.memory_space<vmem>>, %arg4: memref<1x128xf32, #tpu.memory_space<vmem>>, %arg5: memref<128x128xf32, #tpu.memory_space<vmem>>, %arg6: memref<1x128xf32, #tpu.memory_space<vmem>>, %arg7: memref<1000x128xf32, #tpu.memory_space<vmem>>) attributes {dimension_semantics = [#tpu.dimension_semantics<arbitrary>], iteration_bounds = array<i64: 10>, scalar_prefetch = 0 : i64, scratch_operands = 0 : i64, tpu.core_type = #tpu.core_type<tc>, window_params = [{transform_indices = @transform_0, window_bounds = array<i64: 1000, 128>}, {transform_indices = @transform_1, window_bounds = array<i64: 2, 1000, 128>}, {pipeline_mode = #tpu.pipeline_mode<synchronous>, transform_indices = @transform_2, window_bounds = array<i64: 128, 128>}, {pipeline_mode = #tpu.pipeline_mode<synchronous>, transform_indices = @transform_3, window_bounds = array<i64: 1, 128>}, {pipeline_mode = #tpu.pipeline_mode<synchronous>, transform_indices = @transform_4, window_bounds = array<i64: 128, 128>}, {pipeline_mode = #tpu.pipeline_mode<synchronous>, transform_indices = @transform_5, window_bounds = array<i64: 1, 128>}, {transform_indices = @transform_6, window_bounds = array<i64: 1000, 128>}]} {
    %get3A = arith.constant 0 : index
    %get3A_0 = arith.constant 0 : index
    %get3A_1 = vector.load %arg1[%get3A, %get3A_0] : memref<1000x128xf32, #tpu.memory_space<vmem>>, vector<1000x128xf32>
    %get3A_2 = arith.constant 0 : index
    %get3A_3 = arith.constant 0 : index
    %get3A_4 = arith.constant 0 : index
    %get3A_5 = vector.load %arg2[%get3A_2, %get3A_3, %get3A_4] : memref<2x1000x128xf32, #tpu.memory_space<vmem>>, vector<1x1000x128xf32>
    %get3A_6 = vector.shape_cast %get3A_5 : vector<1x1000x128xf32> to vector<1000x128xf32>
    %add3A = arith.addf %get3A_1, %get3A_6 : vector<1000x128xf32>
    %get3A_7 = arith.constant 1 : index
    %get3A_8 = arith.constant 0 : index
    %get3A_9 = arith.constant 0 : index
    %get3A_10 = vector.load %arg2[%get3A_7, %get3A_8, %get3A_9] : memref<2x1000x128xf32, #tpu.memory_space<vmem>>, vector<1x1000x128xf32>
    %get3A_11 = vector.shape_cast %get3A_10 : vector<1x1000x128xf32> to vector<1000x128xf32>
    %add3A_12 = arith.addf %add3A, %get3A_11 : vector<1000x128xf32>
    %get3A_13 = arith.constant 0 : index
    %get3A_14 = arith.constant 0 : index
    %get3A_15 = vector.load %arg3[%get3A_13, %get3A_14] : memref<128x128xf32, #tpu.memory_space<vmem>>, vector<128x128xf32>
    %dot_general3A = arith.constant dense<0.000000e+00> : vector<1000x128xf32>
    %dot_general3A_16 = tpu.matmul %add3A_12, %get3A_15, %dot_general3A {dimension_numbers = #tpu.dot_dimension_numbers<[1], [0], [0], [1], [0, 0, 1, 1], [], []>, transpose_lhs_hint = false} : vector<1000x128xf32>, vector<128x128xf32>, vector<1000x128xf32> -> vector<1000x128xf32>
    %get3A_17 = arith.constant 0 : index
    %get3A_18 = arith.constant 0 : index
    %get3A_19 = vector.load %arg4[%get3A_17, %get3A_18] : memref<1x128xf32, #tpu.memory_space<vmem>>, vector<1x128xf32>
    %add3A_20 = vector.broadcast %get3A_19 : vector<1x128xf32> to vector<1000x128xf32>
    %add3A_21 = arith.addf %dot_general3A_16, %add3A_20 : vector<1000x128xf32>
    %max3A = arith.constant 0.000000e+00 : f32
    %max3A_22 = vector.broadcast %max3A : f32 to vector<1000x128xf32>
    %max3A_23 = arith.maximumf %add3A_21, %max3A_22 : vector<1000x128xf32>
    %get3A_24 = arith.constant 0 : index
    %get3A_25 = arith.constant 0 : index
    %get3A_26 = vector.load %arg5[%get3A_24, %get3A_25] : memref<128x128xf32, #tpu.memory_space<vmem>>, vector<128x128xf32>
    %dot_general3A_27 = arith.constant dense<0.000000e+00> : vector<1000x128xf32>
    %dot_general3A_28 = tpu.matmul %max3A_23, %get3A_26, %dot_general3A_27 {dimension_numbers = #tpu.dot_dimension_numbers<[1], [0], [0], [1], [0, 0, 1, 1], [], []>, transpose_lhs_hint = false} : vector<1000x128xf32>, vector<128x128xf32>, vector<1000x128xf32> -> vector<1000x128xf32>
    %get3A_29 = arith.constant 0 : index
    %get3A_30 = arith.constant 0 : index
    %get3A_31 = vector.load %arg6[%get3A_29, %get3A_30] : memref<1x128xf32, #tpu.memory_space<vmem>>, vector<1x128xf32>
    %add3A_32 = vector.broadcast %get3A_31 : vector<1x128xf32> to vector<1000x128xf32>
    %add3A_33 = arith.addf %dot_general3A_28, %add3A_32 : vector<1000x128xf32>
    %max3A_34 = arith.constant 0.000000e+00 : f32
    %max3A_35 = vector.broadcast %max3A_34 : f32 to vector<1000x128xf32>
    %max3A_36 = arith.maximumf %add3A_33, %max3A_35 : vector<1000x128xf32>
    %swap3A = arith.constant 0 : index
    %swap3A_37 = arith.constant 0 : index
    %swap3A_38 = vector.load %arg7[%swap3A, %swap3A_37] : memref<1000x128xf32, #tpu.memory_space<vmem>>, vector<1000x128xf32>
    tpu.vector_store %arg7[%swap3A, %swap3A_37], %max3A_36 {strides = array<i32>} : memref<1000x128xf32, #tpu.memory_space<vmem>>, vector<1000x128xf32>,
    return
  }
  func.func @transform_0(%arg0: i32) -> (i32, i32) {
    %c0_i32 = arith.constant 0 : i32
    %c0_i32_0 = arith.constant 0 : i32
    return %arg0, %c0_i32 : i32, i32
  }
  func.func @transform_1(%arg0: i32) -> (i32, i32, i32) {
    %c0_i32 = arith.constant 0 : i32
    %c0_i32_0 = arith.constant 0 : i32
    %c0_i32_1 = arith.constant 0 : i32
    return %c0_i32, %arg0, %c0_i32_0 : i32, i32, i32
  }
  func.func @transform_2(%arg0: i32) -> (i32, i32) {
    %c0_i32 = arith.constant 0 : i32
    %c0_i32_0 = arith.constant 0 : i32
    %c0_i32_1 = arith.constant 0 : i32
    return %c0_i32, %c0_i32_0 : i32, i32
  }
  func.func @transform_3(%arg0: i32) -> (i32, i32) {
    %c0_i32 = arith.constant 0 : i32
    %c0_i32_0 = arith.constant 0 : i32
    %c0_i32_1 = arith.constant 0 : i32
    return %c0_i32, %c0_i32_0 : i32, i32
  }
  func.func @transform_4(%arg0: i32) -> (i32, i32) {
    %c0_i32 = arith.constant 0 : i32
    %c0_i32_0 = arith.constant 0 : i32
    %c0_i32_1 = arith.constant 0 : i32
    return %c0_i32, %c0_i32_0 : i32, i32
  }
  func.func @transform_5(%arg0: i32) -> (i32, i32) {
    %c0_i32 = arith.constant 0 : i32
    %c0_i32_0 = arith.constant 0 : i32
    %c0_i32_1 = arith.constant 0 : i32
    return %c0_i32, %c0_i32_0 : i32, i32
  }
  func.func @transform_6(%arg0: i32) -> (i32, i32) {
    %c0_i32 = arith.constant 0 : i32
    %c0_i32_0 = arith.constant 0 : i32
    return %arg0, %c0_i32 : i32, i32
  }
}

module attributes {stable_mosaic.version = 14 : i64} {
  func.func @_mlp2_pool_body(%arg0: i32, %arg1: memref<1x1x1000xi32, #tpu.memory_space<vmem>>, %arg2: memref<1000x128xf32, #tpu.memory_space<vmem>>, %arg3: memref<2x1000x128xf32, #tpu.memory_space<vmem>>, %arg4: memref<128x128xf32, #tpu.memory_space<vmem>>, %arg5: memref<1x128xf32, #tpu.memory_space<vmem>>, %arg6: memref<128x128xf32, #tpu.memory_space<vmem>>, %arg7: memref<1x128xf32, #tpu.memory_space<vmem>>, %arg8: memref<128x10xf32, #tpu.memory_space<vmem>>, %arg9: memref<1x10xf32, #tpu.memory_space<vmem>>, %arg10: memref<128x10xf32, #tpu.memory_space<vmem>>, %arg11: memref<128x128xf32, #tpu.memory_space<vmem>>, %arg12: memref<128x1xf32, #tpu.memory_space<vmem>>) attributes {dimension_semantics = [#tpu.dimension_semantics<arbitrary>], iteration_bounds = array<i64: 10>, scalar_prefetch = 0 : i64, scratch_operands = 2 : i64, tpu.core_type = #tpu.core_type<tc>, window_params = [{transform_indices = @transform_0, window_bounds = array<i64: 1, 1, 1000>}, {transform_indices = @transform_1, window_bounds = array<i64: 1000, 128>}, {transform_indices = @transform_2, window_bounds = array<i64: 2, 1000, 128>}, {pipeline_mode = #tpu.pipeline_mode<synchronous>, transform_indices = @transform_3, window_bounds = array<i64: 128, 128>}, {pipeline_mode = #tpu.pipeline_mode<synchronous>, transform_indices = @transform_4, window_bounds = array<i64: 1, 128>}, {pipeline_mode = #tpu.pipeline_mode<synchronous>, transform_indices = @transform_5, window_bounds = array<i64: 128, 128>}, {pipeline_mode = #tpu.pipeline_mode<synchronous>, transform_indices = @transform_6, window_bounds = array<i64: 1, 128>}, {pipeline_mode = #tpu.pipeline_mode<synchronous>, transform_indices = @transform_7, window_bounds = array<i64: 128, 10>}, {pipeline_mode = #tpu.pipeline_mode<synchronous>, transform_indices = @transform_8, window_bounds = array<i64: 1, 10>}, {pipeline_mode = #tpu.pipeline_mode<synchronous>, transform_indices = @transform_9, window_bounds = array<i64: 128, 10>}]} {
    %eq3A = arith.constant 0 : i32
    %eq3A_0 = arith.cmpi eq, %arg0, %eq3A : i32
    %convert_element_type3A = arith.extui %eq3A_0 : i1 to i32
    %cond3A = arith.constant 0 : i32
    %cond3A_1 = arith.cmpi ne, %convert_element_type3A, %cond3A : i32
    scf.if %cond3A_1 {
      %broadcast_in_dim3A_67 = arith.constant 0.000000e+00 : f32
      %broadcast_in_dim3A_68 = vector.broadcast %broadcast_in_dim3A_67 : f32 to vector<128x128xf32>
      %swap3A_69 = arith.constant 0 : index
      %swap3A_70 = arith.constant 0 : index
      %swap3A_71 = vector.load %arg11[%swap3A_69, %swap3A_70] : memref<128x128xf32, #tpu.memory_space<vmem>>, vector<128x128xf32>
      tpu.vector_store %arg11[%swap3A_69, %swap3A_70], %broadcast_in_dim3A_68 {strides = array<i32>} : memref<128x128xf32, #tpu.memory_space<vmem>>, vector<128x128xf32>,
      %broadcast_in_dim3A_72 = arith.constant 0.000000e+00 : f32
      %broadcast_in_dim3A_73 = vector.broadcast %broadcast_in_dim3A_72 : f32 to vector<128x1xf32>
      %swap3A_74 = arith.constant 0 : index
      %swap3A_75 = arith.constant 0 : index
      %swap3A_76 = vector.load %arg12[%swap3A_74, %swap3A_75] : memref<128x1xf32, #tpu.memory_space<vmem>>, vector<128x1xf32>
      tpu.vector_store %arg12[%swap3A_74, %swap3A_75], %broadcast_in_dim3A_73 {strides = array<i32>} : memref<128x1xf32, #tpu.memory_space<vmem>>, vector<128x1xf32>,
    } else {
    }
    %get3A = arith.constant 0 : index
    %get3A_2 = arith.constant 0 : index
    %get3A_3 = vector.load %arg2[%get3A, %get3A_2] : memref<1000x128xf32, #tpu.memory_space<vmem>>, vector<1000x128xf32>
    %get3A_4 = arith.constant 0 : index
    %get3A_5 = arith.constant 0 : index
    %get3A_6 = arith.constant 0 : index
    %get3A_7 = vector.load %arg3[%get3A_4, %get3A_5, %get3A_6] : memref<2x1000x128xf32, #tpu.memory_space<vmem>>, vector<1x1000x128xf32>
    %get3A_8 = vector.shape_cast %get3A_7 : vector<1x1000x128xf32> to vector<1000x128xf32>
    %add3A = arith.addf %get3A_3, %get3A_8 : vector<1000x128xf32>
    %get3A_9 = arith.constant 1 : index
    %get3A_10 = arith.constant 0 : index
    %get3A_11 = arith.constant 0 : index
    %get3A_12 = vector.load %arg3[%get3A_9, %get3A_10, %get3A_11] : memref<2x1000x128xf32, #tpu.memory_space<vmem>>, vector<1x1000x128xf32>
    %get3A_13 = vector.shape_cast %get3A_12 : vector<1x1000x128xf32> to vector<1000x128xf32>
    %add3A_14 = arith.addf %add3A, %get3A_13 : vector<1000x128xf32>
    %get3A_15 = arith.constant 0 : index
    %get3A_16 = arith.constant 0 : index
    %get3A_17 = vector.load %arg4[%get3A_15, %get3A_16] : memref<128x128xf32, #tpu.memory_space<vmem>>, vector<128x128xf32>
    %dot_general3A = arith.constant dense<0.000000e+00> : vector<1000x128xf32>
    %dot_general3A_18 = tpu.matmul %add3A_14, %get3A_17, %dot_general3A {dimension_numbers = #tpu.dot_dimension_numbers<[1], [0], [0], [1], [0, 0, 1, 1], [], []>, transpose_lhs_hint = false} : vector<1000x128xf32>, vector<128x128xf32>, vector<1000x128xf32> -> vector<1000x128xf32>
    %get3A_19 = arith.constant 0 : index
    %get3A_20 = arith.constant 0 : index
    %get3A_21 = vector.load %arg5[%get3A_19, %get3A_20] : memref<1x128xf32, #tpu.memory_space<vmem>>, vector<1x128xf32>
    %add3A_22 = vector.broadcast %get3A_21 : vector<1x128xf32> to vector<1000x128xf32>
    %add3A_23 = arith.addf %dot_general3A_18, %add3A_22 : vector<1000x128xf32>
    %max3A = arith.constant 0.000000e+00 : f32
    %max3A_24 = vector.broadcast %max3A : f32 to vector<1000x128xf32>
    %max3A_25 = arith.maximumf %add3A_23, %max3A_24 : vector<1000x128xf32>
    %get3A_26 = arith.constant 0 : index
    %get3A_27 = arith.constant 0 : index
    %get3A_28 = vector.load %arg6[%get3A_26, %get3A_27] : memref<128x128xf32, #tpu.memory_space<vmem>>, vector<128x128xf32>
    %dot_general3A_29 = arith.constant dense<0.000000e+00> : vector<1000x128xf32>
    %dot_general3A_30 = tpu.matmul %max3A_25, %get3A_28, %dot_general3A_29 {dimension_numbers = #tpu.dot_dimension_numbers<[1], [0], [0], [1], [0, 0, 1, 1], [], []>, transpose_lhs_hint = false} : vector<1000x128xf32>, vector<128x128xf32>, vector<1000x128xf32> -> vector<1000x128xf32>
    %get3A_31 = arith.constant 0 : index
    %get3A_32 = arith.constant 0 : index
    %get3A_33 = vector.load %arg7[%get3A_31, %get3A_32] : memref<1x128xf32, #tpu.memory_space<vmem>>, vector<1x128xf32>
    %add3A_34 = vector.broadcast %get3A_33 : vector<1x128xf32> to vector<1000x128xf32>
    %add3A_35 = arith.addf %dot_general3A_30, %add3A_34 : vector<1000x128xf32>
    %get3A_36 = arith.constant 0 : index
    %get3A_37 = arith.constant 0 : index
    %get3A_38 = arith.constant 0 : index
    %get3A_39 = vector.load %arg1[%get3A_36, %get3A_37, %get3A_38] : memref<1x1x1000xi32, #tpu.memory_space<vmem>>, vector<1x1x1000xi32>
    %get3A_40 = vector.shape_cast %get3A_39 : vector<1x1x1000xi32> to vector<1000xi32>
    %iota3A = tpu.iota {dimensions = array<i32: 0>} : vector<128x1000xi32>
    %broadcast_in_dim3A = vector.shape_cast %get3A_40 : vector<1000xi32> to vector<1x1000xi32>
    %eq3A_41 = vector.broadcast %broadcast_in_dim3A : vector<1x1000xi32> to vector<128x1000xi32>
    %eq3A_42 = arith.cmpi eq, %iota3A, %eq3A_41 : vector<128x1000xi32>
    %convert_element_type3A_43 = arith.extui %eq3A_42 : vector<128x1000xi1> to vector<128x1000xi32>
    %convert_element_type3A_44 = arith.sitofp %convert_element_type3A_43 : vector<128x1000xi32> to vector<128x1000xf32>
    %get3A_45 = arith.constant 0 : index
    %get3A_46 = arith.constant 0 : index
    %get3A_47 = vector.load %arg11[%get3A_45, %get3A_46] : memref<128x128xf32, #tpu.memory_space<vmem>>, vector<128x128xf32>
    %dot_general3A_48 = arith.constant dense<0.000000e+00> : vector<128x128xf32>
    %dot_general3A_49 = tpu.matmul %convert_element_type3A_44, %add3A_35, %dot_general3A_48 {dimension_numbers = #tpu.dot_dimension_numbers<[1], [0], [0], [1], [0, 0, 1, 1], [], []>, transpose_lhs_hint = false} : vector<128x1000xf32>, vector<1000x128xf32>, vector<128x128xf32> -> vector<128x128xf32>
    %add3A_50 = arith.addf %get3A_47, %dot_general3A_49 : vector<128x128xf32>
    %swap3A = arith.constant 0 : index
    %swap3A_51 = arith.constant 0 : index
    %swap3A_52 = vector.load %arg11[%swap3A, %swap3A_51] : memref<128x128xf32, #tpu.memory_space<vmem>>, vector<128x128xf32>
    tpu.vector_store %arg11[%swap3A, %swap3A_51], %add3A_50 {strides = array<i32>} : memref<128x128xf32, #tpu.memory_space<vmem>>, vector<128x128xf32>,
    %get3A_53 = arith.constant 0 : index
    %get3A_54 = arith.constant 0 : index
    %get3A_55 = vector.load %arg12[%get3A_53, %get3A_54] : memref<128x1xf32, #tpu.memory_space<vmem>>, vector<128x1xf32>
    %reduce_sum3A = arith.constant dense<0.000000e+00> : vector<128xf32>
    %reduce_sum3A_56 = vector.multi_reduction <add>, %convert_element_type3A_44, %reduce_sum3A [1] : vector<128x1000xf32> to vector<128xf32>
    %broadcast_in_dim3A_57 = vector.shape_cast %reduce_sum3A_56 : vector<128xf32> to vector<128x1xf32>
    %add3A_58 = arith.addf %get3A_55, %broadcast_in_dim3A_57 : vector<128x1xf32>
    %swap3A_59 = arith.constant 0 : index
    %swap3A_60 = arith.constant 0 : index
    %swap3A_61 = vector.load %arg12[%swap3A_59, %swap3A_60] : memref<128x1xf32, #tpu.memory_space<vmem>>, vector<128x1xf32>
    tpu.vector_store %arg12[%swap3A_59, %swap3A_60], %add3A_58 {strides = array<i32>} : memref<128x1xf32, #tpu.memory_space<vmem>>, vector<128x1xf32>,
    %eq3A_62 = arith.constant 9 : i32
    %eq3A_63 = arith.cmpi eq, %arg0, %eq3A_62 : i32
    %convert_element_type3A_64 = arith.extui %eq3A_63 : i1 to i32
    %cond3A_65 = arith.constant 0 : i32
    %cond3A_66 = arith.cmpi ne, %convert_element_type3A_64, %cond3A_65 : i32
    scf.if %cond3A_66 {
      %get3A_67 = arith.constant 0 : index
      %get3A_68 = arith.constant 0 : index
      %get3A_69 = vector.load %arg11[%get3A_67, %get3A_68] : memref<128x128xf32, #tpu.memory_space<vmem>>, vector<128x128xf32>
      %get3A_70 = arith.constant 0 : index
      %get3A_71 = arith.constant 0 : index
      %get3A_72 = vector.load %arg12[%get3A_70, %get3A_71] : memref<128x1xf32, #tpu.memory_space<vmem>>, vector<128x1xf32>
      %max3A_73 = arith.constant 1.000000e+00 : f32
      %max3A_74 = vector.broadcast %max3A_73 : f32 to vector<128x1xf32>
      %max3A_75 = arith.maximumf %get3A_72, %max3A_74 : vector<128x1xf32>
      %div3A = vector.broadcast %max3A_75 : vector<128x1xf32> to vector<128x128xf32>
      %div3A_76 = arith.divf %get3A_69, %div3A : vector<128x128xf32>
      %get3A_77 = arith.constant 0 : index
      %get3A_78 = arith.constant 0 : index
      %get3A_79 = vector.load %arg8[%get3A_77, %get3A_78] : memref<128x10xf32, #tpu.memory_space<vmem>>, vector<128x10xf32>
      %dot_general3A_80 = arith.constant dense<0.000000e+00> : vector<128x10xf32>
      %dot_general3A_81 = tpu.matmul %div3A_76, %get3A_79, %dot_general3A_80 {dimension_numbers = #tpu.dot_dimension_numbers<[1], [0], [0], [1], [0, 0, 1, 1], [], []>, transpose_lhs_hint = false} : vector<128x128xf32>, vector<128x10xf32>, vector<128x10xf32> -> vector<128x10xf32>
      %get3A_82 = arith.constant 0 : index
      %get3A_83 = arith.constant 0 : index
      %get3A_84 = vector.load %arg9[%get3A_82, %get3A_83] : memref<1x10xf32, #tpu.memory_space<vmem>>, vector<1x10xf32>
      %add3A_85 = vector.broadcast %get3A_84 : vector<1x10xf32> to vector<128x10xf32>
      %add3A_86 = arith.addf %dot_general3A_81, %add3A_85 : vector<128x10xf32>
      %swap3A_87 = arith.constant 0 : index
      %swap3A_88 = arith.constant 0 : index
      %swap3A_89 = vector.load %arg10[%swap3A_87, %swap3A_88] : memref<128x10xf32, #tpu.memory_space<vmem>>, vector<128x10xf32>
      tpu.vector_store %arg10[%swap3A_87, %swap3A_88], %add3A_86 {strides = array<i32>} : memref<128x10xf32, #tpu.memory_space<vmem>>, vector<128x10xf32>,
    } else {
    }
    return
  }
  func.func @transform_0(%arg0: i32) -> (i32, i32, i32) {
    %c0_i32 = arith.constant 0 : i32
    %c0_i32_0 = arith.constant 0 : i32
    %c0_i32_1 = arith.constant 0 : i32
    return %arg0, %c0_i32, %c0_i32_0 : i32, i32, i32
  }
  func.func @transform_1(%arg0: i32) -> (i32, i32) {
    %c0_i32 = arith.constant 0 : i32
    %c0_i32_0 = arith.constant 0 : i32
    return %arg0, %c0_i32 : i32, i32
  }
  func.func @transform_2(%arg0: i32) -> (i32, i32, i32) {
    %c0_i32 = arith.constant 0 : i32
    %c0_i32_0 = arith.constant 0 : i32
    %c0_i32_1 = arith.constant 0 : i32
    return %c0_i32, %arg0, %c0_i32_0 : i32, i32, i32
  }
  func.func @transform_3(%arg0: i32) -> (i32, i32) {
    %c0_i32 = arith.constant 0 : i32
    %c0_i32_0 = arith.constant 0 : i32
    %c0_i32_1 = arith.constant 0 : i32
    return %c0_i32, %c0_i32_0 : i32, i32
  }
  func.func @transform_4(%arg0: i32) -> (i32, i32) {
    %c0_i32 = arith.constant 0 : i32
    %c0_i32_0 = arith.constant 0 : i32
    %c0_i32_1 = arith.constant 0 : i32
    return %c0_i32, %c0_i32_0 : i32, i32
  }
  func.func @transform_5(%arg0: i32) -> (i32, i32) {
    %c0_i32 = arith.constant 0 : i32
    %c0_i32_0 = arith.constant 0 : i32
    %c0_i32_1 = arith.constant 0 : i32
    return %c0_i32, %c0_i32_0 : i32, i32
  }
  func.func @transform_6(%arg0: i32) -> (i32, i32) {
    %c0_i32 = arith.constant 0 : i32
    %c0_i32_0 = arith.constant 0 : i32
    %c0_i32_1 = arith.constant 0 : i32
    return %c0_i32, %c0_i32_0 : i32, i32
  }
  func.func @transform_7(%arg0: i32) -> (i32, i32) {
    %c0_i32 = arith.constant 0 : i32
    %c0_i32_0 = arith.constant 0 : i32
    %c0_i32_1 = arith.constant 0 : i32
    return %c0_i32, %c0_i32_0 : i32, i32
  }
  func.func @transform_8(%arg0: i32) -> (i32, i32) {
    %c0_i32 = arith.constant 0 : i32
    %c0_i32_0 = arith.constant 0 : i32
    %c0_i32_1 = arith.constant 0 : i32
    return %c0_i32, %c0_i32_0 : i32, i32
  }
  func.func @transform_9(%arg0: i32) -> (i32, i32) {
    %c0_i32 = arith.constant 0 : i32
    %c0_i32_0 = arith.constant 0 : i32
    %c0_i32_1 = arith.constant 0 : i32
    return %c0_i32, %c0_i32_0 : i32, i32
  }
}

</mosaic_0001>

<sc_bundles>
// kernel: kernel.6.cloned.1.call-start
scs
__scs_entry_jumppad:
0x0: {  	(pc) =	sbr.rel $0x88, $3  }
0x1: {  	(tag) =	ssettag $0x0;
	lr =	simm.s32 $0x1  }
0x2: {  	[smem:$0x3F94] =	sst lr;
	_ =	strace $0xD0000000  }
0x3: {  	_ = 	snop  }
0x4: {  	_ = 	snop  }
0x5: {  	_ = 	snop  }
0x6: {  	_ = 	snop  }
0x7: {  	_ = 	snop  }
__scs_overlays_trampoline_lowered:
0x8: {  	[smem:$0x3FA3] =	sst s0  }
0x9: {  	[smem:$0x3FA4] =	sst s1  }
0xa: {  	[smem:$0x3FA5] =	sst s2  }
0xb: {  	[smem:$0x3FA6] =	sst s3  }
0xc: {  	[smem:$0x3FA7] =	sst s4  }
0xd: {  	[smem:$0x3FA8] =	sst s5  }
0xe: {  	[smem:$0x3FA9] =	sst s6  }
0xf: {  	[smem:$0x3FAA] =	sst s7  }
0x10: {  	[smem:$0x3FAB] =	sst s8  }
0x11: {  	[smem:$0x3FAC] =	sst s9;
	s0 =	simm.s32 @!p0 $0x0  }
0x12: {  	s1 =	sld [smem:$0x3F92];
	s0 =	simm.s32 @p0 $0x1  }
0x13: {  	[smem:$0x3FAD] =	sst s0;
	s0 =	simm.s32 @!p1 $0x0  }
0x14: {  	s2 =	sld [smem:$0x3F91];
	s0 =	simm.s32 @p1 $0x1  }
0x15: {  	[smem:$0x3FAE] =	sst s0;
	s0 =	simm.s32 @!p2 $0x0  }
0x16: {  	s3 =	sld [smem:$0x3FDB];
	s0 =	simm.s32 @p2 $0x1  }
0x17: {  	s4 =	simm.s32 $0x1BF5;
	[smem:$0x3FB0] =	sst s0  }
0x18: {  	s0 =	sld [smem:$0x3F93];
	_ =	swait.ge [sflag:s4], $0x0  }
0x19: {  	s7 =	sld [smem:$0x3F94]  }
0x1a: {  	s8 =	sadd.s32 $0xFFFFE003, lr  }
0x1b: {  	s9 =	sadd.s32 $0xFFFFFEF7, lr;
	s5 =	simm.s32 $0xFFFFFFFF;
	p2 =	slt.u32 s8, $0xFFFFF086  }
0x1c: {  	p1 =	slt.u32 s9, $0xF7A;
	s5 =	simm.s32 @!p2 $0x0  }
0x1d: {  	s5 =	simm.s32 @p1 $0x1;
	p0 =	seq.s32 s7, s2  }
0x1e: {  	s7 =	smul.u32 @!p0 $0xF7A, s2;
	p2 =	seq.s32 @!p0 s5, $0x0  }
0x1f: {  	s9 =	smul.u32 $0xF7A, s1;
	s8 =	simm.s32 @!p0 $0x1BF5;
	p2 =	por !p2, p0  }
0x20: {  	[sflag:s8] =	ssyncset.s32 @!p0 $0xFFFFF086;
	s6 =	sadd.s32 @!p0 s3, s7;
	s7 =	simm.s32 @!p0 $0x108  }
0x21: {  	s3 =	sadd.s32 s3, s9;
	s6 =	sadd.s32 @!p0 $0x88, s6;
	s7 =	simm.s32 @p2 $0x1082  }
0x22: {  	[simem:s7], [sflag:s8] =	dma.local @!p0 [hbm:s6], $0xF7A  }
0x23: {  	s9 =	sor.u32 $0xD0000000, s2;
	s6 =	simm.s32 $0x108;
	_ =	swait.ge @!p0 [sflag:s8], $0x0  }
0x24: {  	s3 =	sadd.s32 $0x88, s3;
	s6 =	simm.s32 @!p1 $0x1082;
	[sflag:s4] =	ssyncset.s32 $0xFFFFF086  }
0x25: {  	[simem:s6], [sflag:s4] =	dma.local [hbm:s3], $0xF7A  }
0x26: {  	[smem:$0x3F94] =	sst s1;
	(tag) =	ssettag s2;
	_ =	strace s9  }
0x27: {  	s1 =	sld [smem:$0x3FA4]  }
0x28: {  	s2 =	sld [smem:$0x3FA5]  }
0x29: {  	s4 =	sld [smem:$0x3FA7]  }
0x2a: {  	p0 =	seq.s32 s5, $0x0;
	s5 =	sld [smem:$0x3FA8]  }
0x2b: {  	s6 =	sld [smem:$0x3FA9]  }
0x2c: {  	s7 =	sld [smem:$0x3FAA]  }
0x2d: {  	s3 =	simm.s32 $0x108;
	s8 =	sld [smem:$0x3FAB]  }
0x2e: {  	s3 =	simm.s32 @!p0 $0x1082;
	s9 =	sld [smem:$0x3FAC]  }
0x2f: {  	lr =	sadd.s32 s0, s3;
	s0 =	sld [smem:$0x3FA3]  }
0x30: {  	s3 =	sld [smem:$0x3FA6]  }
0x31: {  	[smem:$0x3FAF] =	sst s10  }
0x32: {  	s10 =	sld [smem:$0x3FAD];
	_ =	sdelay $0x3  }
0x33: {  	p0 =	seq.s32 s10, $0x1;
	s10 =	sld [smem:$0x3FAF];
	_ =	sdelay $0x3  }
0x34: {  	[smem:$0x3FAF] =	sst s10  }
0x35: {  	s10 =	sld [smem:$0x3FAE];
	_ =	sdelay $0x3  }
0x36: {  	p1 =	seq.s32 s10, $0x1;
	s10 =	sld [smem:$0x3FAF];
	_ =	sdelay $0x3  }
0x37: {  	[smem:$0x3FAF] =	sst s10  }
0x38: {  	s10 =	sld [smem:$0x3FB0]  }
0x39: {  	_ = 	snop;
	(pc) =	sbr.ind lr, $3  }
0x3a: {  	_ = 	snop  }
0x3b: {  	_ = 	snop  }
0x3c: {  	p2 =	seq.s32 s10, $0x1;
	s10 =	sld [smem:$0x3FAF]  }
0x3d: {  	_ =	shalt  }
0x3e: {  	_ =	shalt  }
0x3f: {  	_ =	shalt  }
0x40: {  	_ =	shalt  }
0x41: {  	_ =	shalt  }
0x42: {  	_ =	shalt  }
0x43: {  	_ =	shalt  }
0x44: {  	_ =	shalt  }
0x45: {  	_ =	shalt  }
0x46: {  	_ =	shalt  }
0x47: {  	_ =	shalt  }
0x48: {  	_ =	shalt  }
0x49: {  	_ =	shalt  }
0x4a: {  	_ =	shalt  }
0x4b: {  	_ =	shalt  }
0x4c: {  	_ =	shalt  }
0x4d: {  	_ =	shalt  }
0x4e: {  	_ =	shalt  }
0x4f: {  	_ =	shalt  }
0x50: {  	_ =	shalt  }
0x51: {  	_ =	shalt  }
0x52: {  	_ =	shalt  }
0x53: {  	_ =	shalt  }
0x54: {  	_ =	shalt  }
0x55: {  	_ =	shalt  }
0x56: {  	_ =	shalt  }
0x57: {  	_ =	shalt  }
0x58: {  	_ =	shalt  }
0x59: {  	_ =	shalt  }
0x5a: {  	_ =	shalt  }
0x5b: {  	_ =	shalt  }
0x5c: {  	_ =	shalt  }
0x5d: {  	_ =	shalt  }
0x5e: {  	_ =	shalt  }
0x5f: {  	_ =	shalt  }
0x60: {  	_ =	shalt  }
0x61: {  	_ =	shalt  }
0x62: {  	_ =	shalt  }
0x63: {  	_ =	shalt  }
0x64: {  	_ =	shalt  }
0x65: {  	_ =	shalt  }
0x66: {  	_ =	shalt  }
0x67: {  	_ =	shalt  }
0x68: {  	_ =	shalt  }
0x69: {  	_ =	shalt  }
0x6a: {  	_ =	shalt  }
0x6b: {  	_ =	shalt  }
0x6c: {  	_ =	shalt  }
0x6d: {  	_ =	shalt  }
0x6e: {  	_ =	shalt  }
0x6f: {  	_ =	shalt  }
0x70: {  	_ =	shalt  }
0x71: {  	_ =	shalt  }
0x72: {  	_ =	shalt  }
0x73: {  	_ =	shalt  }
0x74: {  	_ =	shalt  }
0x75: {  	_ =	shalt  }
0x76: {  	_ =	shalt  }
0x77: {  	_ =	shalt  }
0x78: {  	_ =	shalt  }
0x79: {  	_ =	shalt  }
0x7a: {  	_ =	shalt  }
0x7b: {  	_ =	shalt  }
0x7c: {  	_ =	shalt  }
0x7d: {  	_ =	shalt  }
0x7e: {  	_ =	shalt  }
0x7f: {  	_ =	shalt  }
0x80: {  	_ =	shalt  }
0x81: {  	_ =	shalt  }
0x82: {  	_ =	shalt  }
0x83: {  	_ =	shalt  }
0x84: {  	_ =	shalt  }
0x85: {  	_ =	shalt  }
0x86: {  	_ =	shalt  }
0x87: {  	_ =	shalt  }
.Lfunc_end0:
.L_simem_size_0:
called_computation_lowered:
.L_overlay_start_0:
0x88: {  	s2 =	sld [smem:$0x3FD9]  }
0x89: {  	s3 =	sld [smem:$0x3FFE];
	_ =	sdelay $0x1  }
0x8a: {  	s1 =	srdreg.scid  }
0x8b: {  	s0 =	sand.u32 $0x1, s1  }
0x8c: {  	s17 =	sshll.u32 s0, $0xA;
	s2 =	sadd.s32 s3, s2  }
0x8d: {  	s2 =	sadd.s32 s2, s17  }
0x8e: {  	[smem:$0x3FBB] =	sst s2  }
0x8f: {  	_ = 	snop  }
0x90: {  	s2 =	sld [smem:$0x3FC9];
	(tm) =	ssettm $0x1  }
0x91: {  	s18 =	sld [smem:$0x3FFB];
	_ =	sdelay $0x3  }
0x92: {  	_ =	strace s18  }
0x93: {  	s3 =	sld [smem:$0x3FFC];
	_ =	sdelay $0x3  }
0x94: {  	_ =	strace s3  }
0x95: {  	s3 =	sld [smem:$0x3FFD];
	_ =	sdelay $0x3  }
0x96: {  	_ =	strace s3  }
0x97: {  	_ =	strace $0x8FFFFFFF  }
0x98: {  	s19 =	sld [smem:$0x3FDB];
	_ =	sdelay $0x1  }
0x99: {  	s4 =	simm.s32 $_scs_section_size  }
0x9a: {  	s5 =	simm.s32 $_size__tile_overlayer_lowered;
	s6 =	simm.s32 $_tile_overlayer_lowered  }
0x9b: {  	s22 =	simm.s32 $0x1BFF;
	s21 =	sshll.u32 s6, $0x1;
	s3 =	sadd.s32 s4, s19  }
0x9c: {  	s7 =	simm.s32 $0x0;
	s20 =	sshll.u32 s5, $0x1;
	s5 =	sadd.s32 s21, s3  }
0x9d: {  	[timem:s7], [sflag:s22] =	dma.local [hbm:s5], s20  }
0x9e: {  	_ =	swait.ge [sflag:s22], s20  }
0x9f: {  	s4 =	ssub.s32 $0x0, s20;
	[sflag:s22] =	ssyncset.done $0x0  }
0xa0: {  	[sflag:s22] =	ssyncadd.s32 s4;
	_ =	sdelay $0x1  }
0xa1: {  	s23 =	simm.s32 $0x1B8B  }
0xa2: {  	_ =	swait.ge [sflag:s23], $0x1  }
0xa3: {  	[sflag:s23] =	ssyncset.done $0x0  }
0xa4: {  	s25 =	simm.s32 $0x1B8E;
	s24 =	sld [smem:$0x3FFE];
	[sflag:s23] =	ssyncadd.s32 $0xFFFFFFFF  }
0xa5: {  	s26 =	simm.s32 $execute0_lowered;
	[smem:$0x3FD2] =	sst s25  }
0xa6: {  	s5 =	sshll.u32 s26, $0x1;
	_ =	strace $0x80000046;
	[dreg:$0x1] =	wrdreg $0xFFFFFFFF  }
0xa7: {  	s28 =	simm.s32 $_size_execute0_lowered;
	s3 =	sadd.s32 s3, s5;
	[dreg:$0x0] =	wrdreg $0x0  }
0xa8: {  	s5 =	sshll.u32 s28, $0x1;
	[dreg:$0x2] =	wrdreg s3  }
0xa9: {  	[dreg:$0x3] =	wrdreg s5  }
0xaa: {  	[dreg:$0x4] =	wrdreg $0xC0  }
0xab: {  	_ =	task [dreg:s7], $0x5FFFF  }
0xac: {  	[dreg:$0x1] =	wrdreg $0xFFFFFFFF  }
0xad: {  	[dreg:$0x0] =	wrdreg $0x60  }
0xae: {  	[dreg:$0x2] =	wrdreg s2  }
0xaf: {  	[dreg:$0x3] =	wrdreg s24  }
0xb0: {  	[dreg:$0x4] =	wrdreg $0xA1000  }
0xb1: {  	[dreg:$0x5] =	wrdreg $0x9  }
0xb2: {  	_ =	task.clear_ibuf [dreg:s7], $0x6FFFF;
	_ =	strace $0x90000046  }
0xb3: {  	s29 =	simm.s32 $0x9;
	_ =	strace $0x80000048  }
0xb4: {  	_ =	swait.ge [sflag:s29], $0x1  }
0xb5: {  	[sflag:s29] =	ssyncadd.s32 $0xFFFFFFFF  }
0xb6: {  	_ =	strace $0x90000048  }
0xb7: {  	_ =	sfence  }
0xb8: {  	s30 =	sld [smem:$0x0];
	_ =	sdelay $0x2  }
0xb9: {  	s31 =	sshll.u32 s1, $0xD;
	s1 =	sshrl.u32 s1, $0x2  }
0xba: {  	s3 =	sand.u32 $0x4000, s31;
	s1 =	sadd.s32 s1, s30  }
0xbb: {  	s0 =	sor.u32 s3, s0;
	s1 =	sshll.u32 s1, $0x11  }
0xbc: {  	s0 =	sor.u32 s1, s0  }
0xbd: {  	s0 =	sadd.s32 $0x8F2B, s0  }
0xbe: {  	[sflag:s0] =	ssyncadd.remote.s32 $0x1  }
0xbf: {  	_ =	sfence.sel $0xFFFF  }
0xc0: {  	[dreg:$0x0] =	wrdreg $0xFFFFFFFF;
	(pc) =	sbr.abs _section_cstart, $3  }
0xc1: {  	[dreg:$0x1] =	wrdreg $0xFFFFFFFF  }
0xc2: {  	_ =	task.clear_ibuf [dreg:s7], $0x2FFFF;
	_ =	strace $0x9FFFFFFF  }
0xc3: {  	(tm) =	ssettm $0x7FFFFFFF  }
tec
execute0_lowered:
.L_overlay_start_1:
0x0: {  	(tag) =	ssettag $0x1  }
0x1: {  	s1 =	rddreg [dreg:$0x0]  }
0x2: {  	s0 =	rddreg [dreg:$0x1]  }
0x3: {  	s2 =	rddreg [dreg:$0x2];
	s3 =	srdreg.scid  }
0x4: {  	s4 =	simm.s32 $0x0;
	s10 =	stileid.u32;
	s28 =	simm.s32 $0x2900  }
0x5: {  	s29 =	simm.s32 $0xB;
	s30 =	simm.s32 $0x1;
	s7 =	smul.u32 $0x14000, s10  }
0x6: {  	s31 =	simm.s32 $0x50;
	s3 =	sand.u32 $0x1, s3;
	s26 =	smul.u32 $0x50000, s10  }
0x7: {  	[smem:$0x7FF] =	sst s4;
	s8 =	sadd.s32 $0x2E00, s0;
	s16 =	smul.u32 $0x2710, s10  }
0x8: {  	s5 =	smul.u32 $0x140000, s3;
	s6 =	sshll.u32 s3, $0x4;
	_ =	strace $0x80000047  }
0x9: {  	s24 =	ssub.s32 $0x2, s3;
	s3 =	smul.u32 $0x27100, s3;
	s6 =	sor.u32 s10, s6  }
0xa: {  	s9 =	sshrl.u32 s24, $0x1;
	s6 =	smul.u32 $0x2710, s6;
	s5 =	sadd.s32 s7, s5  }
0xb: {  	s14 =	sshrl.u32 s26, $0x2;
	s7 =	ssub.s32 s24, s9;
	s5 =	sshrl.u32 s5, $0x3  }
0xc: {  	s15 =	smax.u32 s7, $0x1;
	s6 =	sshrl.u32 s6, $0x3;
	s0 =	sadd.s32 s5, s0  }
0xd: {  	[dreg:$0xa] =	wrdreg s15;
	s5 =	sadd.s32 s8, s6;
	s0 =	sadd.s32 $0x16800, s0  }
0xe: {  	s10 =	simm.s32 $0x6;
	s6 =	sadd.s32 $0x9C40, s5;
	[dreg:$0x9] =	wrdreg s0  }
0xf: {  	s9 =	simm.s32 $0x3;
	s25 =	sadd.s32 $0x9C4A, s5;
	[dreg:$0x4] =	wrdreg s6  }
0x10: {  	s7 =	simm.s32 $0x5;
	s11 =	sadd.s32 $0x9C54, s5;
	[dreg:$0x5] =	wrdreg s25  }
0x11: {  	s15 =	simm.s32 $0xA;
	s12 =	sadd.s32 $0xA10E, s5;
	[dreg:$0x6] =	wrdreg s11  }
0x12: {  	s13 =	sadd.s32 $0xA118, s5;
	s0 =	sadd.s32 s16, s3;
	[dreg:$0x7] =	wrdreg s12  }
0x13: {  	s16 =	simm.s32 $0x0;
	[dreg:$0x8] =	wrdreg s13;
	s12 =	sadd.s32 s14, s2  }
0x14: {  	s24 =	sadd.s32 $0x4E390, s0;
	s25 =	sadd.s32 $0x4E340, s0;
	s0 =	sadd.s32 $0x4E2F0, s0  }
0x15: {  	s6 =	simm.s32 $0x2;
	s11 =	simm.s32 $0x9;
	s17 =	sadd.s32 $0x2800, s12  }
0x16: {  	s13 =	simm.s32 $0x4;
	s18 =	sadd.s32 $0x5000, s12;
	[dreg:$0xb] =	wrdreg s17  }
0x17: {  	s14 =	simm.s32 $0x7;
	s19 =	sadd.s32 $0x7800, s12;
	[dreg:$0xc] =	wrdreg s18  }
0x18: {  	s20 =	sadd.s32 $0xA000, s12;
	s21 =	sadd.s32 $0xC800, s12;
	[dreg:$0xd] =	wrdreg s19  }
0x19: {  	s22 =	sadd.s32 $0xF000, s12;
	s23 =	sadd.s32 $0x11800, s12;
	[dreg:$0xe] =	wrdreg s20  }
0x1a: {  	s3 =	sshrl.u32 s24, $0x3;
	s26 =	sshrl.u32 s25, $0x3;
	[dreg:$0xf] =	wrdreg s21  }
0x1b: {  	s0 =	sshrl.u32 s0, $0x3;
	s24 =	simm.s32 $0x2780;
	[dreg:$0x10] =	wrdreg s22  }
0x1c: {  	s25 =	simm.s32 $0x2800;
	[dreg:$0x11] =	wrdreg s23;
	s21 =	sadd.s32 s3, s8  }
0x1d: {  	s22 =	sadd.s32 s26, s8;
	s23 =	sadd.s32 s0, s8;
	s26 =	simm.s32 $0x2880  }
0x1e: {  	v0 =	vimm.f32 $0.0e+00;
	s0 =	simm.s32 $0x5100;
	s3 =	simm.s32 $0x7900;
	s8 =	simm.s32 $0x8  }
.LBB2_1:
0x1f: {  	[tilespmem:s4], [sflag:$0x1] =	stream.linear.gather [hbm4b:s5+s4], $0x2710, $0x38;
	[tilespmem:$0x1E100] =	vst v63  }
0x20: {  	s17 =	rddreg [dreg:$0x4]  }
0x21: {  	[tilespmem:s24], [sflag:$0x5] =	stream.linear.gather [hbm4b:s17+s4], $0x50, $0x38;
	[tilespmem:$0x1E100] =	vst v63  }
0x22: {  	s19 =	rddreg [dreg:$0x5]  }
0x23: {  	[tilespmem:s25], [sflag:$0x6] =	stream.linear.gather [hbm4b:s19+s4], $0x50, $0x38;
	[tilespmem:$0x1E100] =	vst v63  }
0x24: {  	s20 =	rddreg [dreg:$0x6];
	s18 =	simm.s32 $0x3C0;
	s17 =	simm.s32 $0x70  }
0x25: {  	[tilespmem:s26], [sflag:$0x7] =	stream.linear.gather [hbm4b:s20+s4], $0x50, $0x38;
	[tilespmem:$0x1E100] =	vst v63  }
.LBB2_2:
0x26: {  	p0 =	sne.s32 s18, $0x9FC0;
	[tilespmem:s17+$0x2900] =	vst v0  }
0x27: {  	[tilespmem:s17+$0x2890] =	vst v0  }
0x28: {  	[tilespmem:s17+$0x28A0] =	vst v0  }
.Ltmp0:
0x29: {  	[tilespmem:s17+$0x28B0] =	vst v0;
	(pc) =	sbr.rel @p0 .LBB2_2-.Ltmp0, $4  }
0x2a: {  	[tilespmem:s17+$0x28C0] =	vst v0  }
0x2b: {  	[tilespmem:s17+$0x28D0] =	vst v0  }
0x2c: {  	[tilespmem:s17+$0x28E0] =	vst v0  }
0x2d: {  	[tilespmem:s17+$0x28F0] =	vst v0;
	s17 =	sshra.s32 s18, $0x2;
	s18 =	sadd.s32 $0x200, s18  }
0x2e: {  	[tilespmem:s17+$0x2900] =	vst v0  }
0x2f: {  	[tilespmem:s17+$0x2890] =	vst v0  }
0x30: {  	[tilespmem:s17+$0x28A0] =	vst v0  }
0x31: {  	[tilespmem:s17+$0x28B0] =	vst v0  }
0x32: {  	[tilespmem:s17+$0x28C0] =	vst v0  }
0x33: {  	[tilespmem:s17+$0x28D0] =	vst v0  }
0x34: {  	[tilespmem:s17+$0x28E0] =	vst v0  }
0x35: {  	[tilespmem:s17+$0x28F0] =	vst v0  }
0x36: {  	[spmem:s12] =	stream.linear.scatter [tilespmem:s28], [sflag:$0xB], $0x2800, $0x38;
	[tilespmem:$0x1E100] =	vst v63  }
0x37: {  	_ =	swait.ge [sflag:s29], $0x2800  }
0x38: {  	[sflag:s29] =	ssyncset.done $0x0  }
0x39: {  	s18 =	rddreg [dreg:$0xb];
	[sflag:s29] =	ssyncadd.s32 $0xFFFFD800  }
0x3a: {  	[spmem:s18] =	stream.linear.scatter [tilespmem:s28], [sflag:$0xB], $0x2800, $0x38;
	[tilespmem:$0x1E100] =	vst v63  }
0x3b: {  	_ =	swait.ge [sflag:s29], $0x2800  }
0x3c: {  	[sflag:s29] =	ssyncset.done $0x0  }
0x3d: {  	s19 =	rddreg [dreg:$0xc];
	[sflag:s29] =	ssyncadd.s32 $0xFFFFD800  }
0x3e: {  	[spmem:s19] =	stream.linear.scatter [tilespmem:s28], [sflag:$0xB], $0x2800, $0x38;
	[tilespmem:$0x1E100] =	vst v63  }
0x3f: {  	_ =	swait.ge [sflag:s29], $0x2800  }
0x40: {  	[sflag:s29] =	ssyncset.done $0x0  }
0x41: {  	s20 =	rddreg [dreg:$0xd];
	[sflag:s29] =	ssyncadd.s32 $0xFFFFD800  }
0x42: {  	[spmem:s20] =	stream.linear.scatter [tilespmem:s28], [sflag:$0xB], $0x2800, $0x38;
	[tilespmem:$0x1E100] =	vst v63  }
0x43: {  	_ =	swait.ge [sflag:s29], $0x2800  }
0x44: {  	[sflag:s29] =	ssyncset.done $0x0  }
0x45: {  	s18 =	rddreg [dreg:$0xe];
	[sflag:s29] =	ssyncadd.s32 $0xFFFFD800  }
0x46: {  	[spmem:s18] =	stream.linear.scatter [tilespmem:s28], [sflag:$0xB], $0x2800, $0x38;
	[tilespmem:$0x1E100] =	vst v63  }
0x47: {  	_ =	swait.ge [sflag:s29], $0x2800  }
0x48: {  	[sflag:s29] =	ssyncset.done $0x0  }
0x49: {  	s19 =	rddreg [dreg:$0xf];
	[sflag:s29] =	ssyncadd.s32 $0xFFFFD800  }
0x4a: {  	[spmem:s19] =	stream.linear.scatter [tilespmem:s28], [sflag:$0xB], $0x2800, $0x38;
	[tilespmem:$0x1E100] =	vst v63  }
0x4b: {  	_ =	swait.ge [sflag:s29], $0x2800  }
0x4c: {  	[sflag:s29] =	ssyncset.done $0x0  }
0x4d: {  	s20 =	rddreg [dreg:$0x10];
	[sflag:s29] =	ssyncadd.s32 $0xFFFFD800  }
0x4e: {  	[spmem:s20] =	stream.linear.scatter [tilespmem:s28], [sflag:$0xB], $0x2800, $0x38;
	[tilespmem:$0x1E100] =	vst v63  }
0x4f: {  	_ =	swait.ge [sflag:s29], $0x2800  }
0x50: {  	[sflag:s29] =	ssyncset.done $0x0  }
0x51: {  	s18 =	rddreg [dreg:$0x11];
	[sflag:s29] =	ssyncadd.s32 $0xFFFFD800  }
0x52: {  	[spmem:s18] =	stream.linear.scatter [tilespmem:s28], [sflag:$0xB], $0x2800, $0x38;
	[tilespmem:$0x1E100] =	vst v63  }
0x53: {  	_ =	swait.ge [sflag:s29], $0x2800  }
0x54: {  	[sflag:s29] =	ssyncset.done $0x0  }
0x55: {  	[sflag:s29] =	ssyncadd.s32 $0xFFFFD800  }
0x56: {  	_ =	swait.ge [sflag:s30], $0x2710  }
0x57: {  	[sflag:s30] =	ssyncset.done $0x0  }
0x58: {  	[sflag:s30] =	ssyncadd.s32 $0xFFFFD8F0  }
0x59: {  	s19 =	simm.s32 $0x0;
	[bflag:$0x0] =	sbarrier.arrive $0xFFFF  }
0x5a: {  	[tilespmem:s28], [sflag:$0x2] =	stream.indirect.gather [hbm4b:s1+s31], $0x80, s19, s31, $0xb8;
	[tilespmem:$0x1E100] =	vst v63  }
0x5b: {  	_ = 	snop  }
0x5c: {  	[tilespmem:s0], [sflag:$0x3] =	stream.indirect.gather [hbm4b:s1+s31], $0x80, s31, s31, $0xb8;
	[tilespmem:$0x1E100] =	vst v63  }
0x5d: {  	s20 =	simm.s32 $0xA0  }
0x5e: {  	[tilespmem:s3], [sflag:$0x4] =	stream.indirect.gather [hbm4b:s1+s31], $0x80, s20, s31, $0xb8;
	[tilespmem:$0x1E100] =	vst v63  }
0x5f: {  	_ =	swait.ge [sflag:s6], $0x2800  }
0x60: {  	[sflag:s6] =	ssyncset.done $0x0  }
0x61: {  	[sflag:s6] =	ssyncadd.s32 $0xFFFFD800  }
0x62: {  	_ =	swait.ge [sflag:s7], $0x50  }
0x63: {  	[sflag:s7] =	ssyncset.done $0x0  }
0x64: {  	[sflag:s7] =	ssyncadd.s32 $0xFFFFFFB0  }
0x65: {  	[spmem:s2] =	stream.indirect.scatter.add.f32 [tilespmem:s28], [sflag:$0x8], $0x80, s24, s31, $0xb8;
	[tilespmem:$0x1E100] =	vst v63  }
0x66: {  	_ =	swait.ge [sflag:s8], $0x2800  }
0x67: {  	[sflag:s8] =	ssyncset.done $0x0  }
0x68: {  	s18 =	sadd.s32 $0x0, s23;
	[sflag:s8] =	ssyncadd.s32 $0xFFFFD800  }
0x69: {  	[tilespmem:s24], [sflag:$0x5] =	stream.linear.gather [hbm4b:s18+s4], $0x50, $0x38;
	[tilespmem:$0x1E100] =	vst v63  }
0x6a: {  	s19 =	simm.s32 $0xF0  }
0x6b: {  	[tilespmem:s28], [sflag:$0x2] =	stream.indirect.gather [hbm4b:s1+s31], $0x80, s19, s31, $0xb8;
	[tilespmem:$0x1E100] =	vst v63  }
0x6c: {  	_ =	swait.ge [sflag:s9], $0x2800  }
0x6d: {  	[sflag:s9] =	ssyncset.done $0x0  }
0x6e: {  	[sflag:s9] =	ssyncadd.s32 $0xFFFFD800  }
0x6f: {  	_ =	swait.ge [sflag:s10], $0x50  }
0x70: {  	[sflag:s10] =	ssyncset.done $0x0  }
0x71: {  	[sflag:s10] =	ssyncadd.s32 $0xFFFFFFB0  }
0x72: {  	[spmem:s2] =	stream.indirect.scatter.add.f32 [tilespmem:s0], [sflag:$0x9], $0x80, s25, s31, $0xb8;
	[tilespmem:$0x1E100] =	vst v63  }
0x73: {  	_ =	swait.ge [sflag:s11], $0x2800  }
0x74: {  	[sflag:s11] =	ssyncset.done $0x0  }
0x75: {  	s20 =	sadd.s32 $0x0, s22;
	[sflag:s11] =	ssyncadd.s32 $0xFFFFD800  }
0x76: {  	[tilespmem:s25], [sflag:$0x6] =	stream.linear.gather [hbm4b:s20+s4], $0x50, $0x38;
	[tilespmem:$0x1E100] =	vst v63  }
0x77: {  	s18 =	simm.s32 $0x140  }
0x78: {  	[tilespmem:s0], [sflag:$0x3] =	stream.indirect.gather [hbm4b:s1+s31], $0x80, s18, s31, $0xb8;
	[tilespmem:$0x1E100] =	vst v63  }
0x79: {  	_ =	swait.ge [sflag:s13], $0x2800  }
0x7a: {  	[sflag:s13] =	ssyncset.done $0x0  }
0x7b: {  	[sflag:s13] =	ssyncadd.s32 $0xFFFFD800  }
0x7c: {  	_ =	swait.ge [sflag:s14], $0x50  }
0x7d: {  	[sflag:s14] =	ssyncset.done $0x0  }
0x7e: {  	[sflag:s14] =	ssyncadd.s32 $0xFFFFFFB0  }
0x7f: {  	[spmem:s2] =	stream.indirect.scatter.add.f32 [tilespmem:s3], [sflag:$0xA], $0x80, s26, s31, $0xb8;
	[tilespmem:$0x1E100] =	vst v63  }
0x80: {  	_ =	swait.ge [sflag:s15], $0x2800  }
0x81: {  	[sflag:s15] =	ssyncset.done $0x0  }
0x82: {  	s19 =	sadd.s32 $0x0, s21;
	[sflag:s15] =	ssyncadd.s32 $0xFFFFD800  }
0x83: {  	[tilespmem:s26], [sflag:$0x7] =	stream.linear.gather [hbm4b:s19+s4], $0x50, $0x38;
	[tilespmem:$0x1E100] =	vst v63  }
0x84: {  	s20 =	simm.s32 $0x190  }
0x85: {  	[tilespmem:s3], [sflag:$0x4] =	stream.indirect.gather [hbm4b:s1+s31], $0x80, s20, s31, $0xb8;
	[tilespmem:$0x1E100] =	vst v63  }
0x86: {  	_ =	swait.ge [sflag:s6], $0x2800  }
0x87: {  	[sflag:s6] =	ssyncset.done $0x0  }
0x88: {  	[sflag:s6] =	ssyncadd.s32 $0xFFFFD800  }
0x89: {  	_ =	swait.ge [sflag:s7], $0x50  }
0x8a: {  	[sflag:s7] =	ssyncset.done $0x0  }
0x8b: {  	s17 =	simm.s32 $0x1E;
	s18 =	simm.s32 $0x280;
	[sflag:s7] =	ssyncadd.s32 $0xFFFFFFB0  }
.LBB2_4:
0x8c: {  	[spmem:s2] =	stream.indirect.scatter.add.f32 [tilespmem:s28], [sflag:$0x8], $0x80, s24, s31, $0xb8;
	[tilespmem:$0x1E100] =	vst v63  }
0x8d: {  	s19 =	smov.u32 s17  }
0x8e: {  	p0 =	sne.s32 s17, $0x492;
	s17 =	sadd.s32 $0x1E, s17;
	_ =	swait.ge [sflag:s8], $0x2800  }
0x8f: {  	[sflag:s8] =	ssyncset.done $0x0  }
0x90: {  	s20 =	sadd.s32 s19, s23;
	[sflag:s8] =	ssyncadd.s32 $0xFFFFD800  }
0x91: {  	[tilespmem:s24], [sflag:$0x5] =	stream.linear.gather [hbm4b:s20+s4], $0x50, $0x38;
	[tilespmem:$0x1E100] =	vst v63  }
0x92: {  	s20 =	sadd.s32 $0xFFFFFF60, s18  }
0x93: {  	[tilespmem:s28], [sflag:$0x2] =	stream.indirect.gather [hbm4b:s1+s31], $0x80, s20, s31, $0xb8;
	[tilespmem:$0x1E100] =	vst v63  }
0x94: {  	_ =	swait.ge [sflag:s9], $0x2800  }
0x95: {  	[sflag:s9] =	ssyncset.done $0x0  }
0x96: {  	[sflag:s9] =	ssyncadd.s32 $0xFFFFD800  }
0x97: {  	_ =	swait.ge [sflag:s10], $0x50  }
0x98: {  	[sflag:s10] =	ssyncset.done $0x0  }
0x99: {  	[sflag:s10] =	ssyncadd.s32 $0xFFFFFFB0  }
0x9a: {  	[spmem:s2] =	stream.indirect.scatter.add.f32 [tilespmem:s0], [sflag:$0x9], $0x80, s25, s31, $0xb8;
	[tilespmem:$0x1E100] =	vst v63  }
0x9b: {  	_ =	swait.ge [sflag:s11], $0x2800  }
0x9c: {  	[sflag:s11] =	ssyncset.done $0x0  }
0x9d: {  	s20 =	sadd.s32 s19, s22;
	[sflag:s11] =	ssyncadd.s32 $0xFFFFD800  }
0x9e: {  	[tilespmem:s25], [sflag:$0x6] =	stream.linear.gather [hbm4b:s20+s4], $0x50, $0x38;
	[tilespmem:$0x1E100] =	vst v63  }
0x9f: {  	s20 =	sadd.s32 $0xFFFFFFB0, s18  }
0xa0: {  	[tilespmem:s0], [sflag:$0x3] =	stream.indirect.gather [hbm4b:s1+s31], $0x80, s20, s31, $0xb8;
	[tilespmem:$0x1E100] =	vst v63  }
0xa1: {  	_ =	swait.ge [sflag:s13], $0x2800  }
0xa2: {  	[sflag:s13] =	ssyncset.done $0x0  }
0xa3: {  	[sflag:s13] =	ssyncadd.s32 $0xFFFFD800  }
0xa4: {  	_ =	swait.ge [sflag:s14], $0x50  }
0xa5: {  	[sflag:s14] =	ssyncset.done $0x0  }
0xa6: {  	[sflag:s14] =	ssyncadd.s32 $0xFFFFFFB0  }
0xa7: {  	[spmem:s2] =	stream.indirect.scatter.add.f32 [tilespmem:s3], [sflag:$0xA], $0x80, s26, s31, $0xb8;
	[tilespmem:$0x1E100] =	vst v63  }
0xa8: {  	_ =	swait.ge [sflag:s15], $0x2800  }
0xa9: {  	[sflag:s15] =	ssyncset.done $0x0  }
0xaa: {  	s19 =	sadd.s32 s19, s21;
	[sflag:s15] =	ssyncadd.s32 $0xFFFFD800  }
0xab: {  	[tilespmem:s26], [sflag:$0x7] =	stream.linear.gather [hbm4b:s19+s4], $0x50, $0x38;
	[tilespmem:$0x1E100] =	vst v63  }
0xac: {  	_ = 	snop  }
0xad: {  	[tilespmem:s3], [sflag:$0x4] =	stream.indirect.gather [hbm4b:s1+s31], $0x80, s18, s31, $0xb8;
	[tilespmem:$0x1E100] =	vst v63  }
0xae: {  	_ =	swait.ge [sflag:s6], $0x2800  }
.Ltmp1:
0xaf: {  	[sflag:s6] =	ssyncset.done $0x0;
	(pc) =	sbr.rel @p0 .LBB2_4-.Ltmp1, $4  }
0xb0: {  	[sflag:s6] =	ssyncadd.s32 $0xFFFFD800  }
0xb1: {  	_ =	swait.ge [sflag:s7], $0x50  }
0xb2: {  	[sflag:s7] =	ssyncset.done $0x0  }
0xb3: {  	s18 =	sadd.s32 $0xF0, s18;
	[sflag:s7] =	ssyncadd.s32 $0xFFFFFFB0  }
0xb4: {  	[spmem:s2] =	stream.indirect.scatter.add.f32 [tilespmem:s28], [sflag:$0x8], $0x80, s24, s31, $0xb8;
	[tilespmem:$0x1E100] =	vst v63  }
0xb5: {  	_ =	swait.ge [sflag:s8], $0x2800  }
0xb6: {  	[sflag:s8] =	ssyncset.done $0x0  }
0xb7: {  	s17 =	rddreg [dreg:$0x7];
	[sflag:s8] =	ssyncadd.s32 $0xFFFFD800  }
0xb8: {  	[tilespmem:s24], [sflag:$0x5] =	stream.linear.gather [hbm4b:s17+s4], $0x50, $0x38;
	[tilespmem:$0x1E100] =	vst v63  }
0xb9: {  	s19 =	simm.s32 $0x2670  }
0xba: {  	[tilespmem:s28], [sflag:$0x2] =	stream.indirect.gather [hbm4b:s1+s31], $0x80, s19, s31, $0xb8;
	[tilespmem:$0x1E100] =	vst v63  }
0xbb: {  	_ =	swait.ge [sflag:s9], $0x2800  }
0xbc: {  	[sflag:s9] =	ssyncset.done $0x0  }
0xbd: {  	[sflag:s9] =	ssyncadd.s32 $0xFFFFD800  }
0xbe: {  	_ =	swait.ge [sflag:s10], $0x50  }
0xbf: {  	[sflag:s10] =	ssyncset.done $0x0  }
0xc0: {  	[sflag:s10] =	ssyncadd.s32 $0xFFFFFFB0  }
0xc1: {  	[spmem:s2] =	stream.indirect.scatter.add.f32 [tilespmem:s0], [sflag:$0x9], $0x80, s25, s31, $0xb8;
	[tilespmem:$0x1E100] =	vst v63  }
0xc2: {  	_ =	swait.ge [sflag:s11], $0x2800  }
0xc3: {  	[sflag:s11] =	ssyncset.done $0x0  }
0xc4: {  	s20 =	rddreg [dreg:$0x8];
	[sflag:s11] =	ssyncadd.s32 $0xFFFFD800  }
0xc5: {  	[tilespmem:s25], [sflag:$0x6] =	stream.linear.gather [hbm4b:s20+s4], $0x50, $0x38;
	[tilespmem:$0x1E100] =	vst v63  }
0xc6: {  	s18 =	simm.s32 $0x26C0  }
0xc7: {  	[tilespmem:s0], [sflag:$0x3] =	stream.indirect.gather [hbm4b:s1+s31], $0x80, s18, s31, $0xb8;
	[tilespmem:$0x1E100] =	vst v63  }
0xc8: {  	_ =	swait.ge [sflag:s13], $0x2800  }
0xc9: {  	[sflag:s13] =	ssyncset.done $0x0  }
0xca: {  	[sflag:s13] =	ssyncadd.s32 $0xFFFFD800  }
0xcb: {  	_ =	swait.ge [sflag:s14], $0x50  }
0xcc: {  	[sflag:s14] =	ssyncset.done $0x0  }
0xcd: {  	[sflag:s14] =	ssyncadd.s32 $0xFFFFFFB0  }
0xce: {  	[spmem:s2] =	stream.indirect.scatter.add.f32 [tilespmem:s3], [sflag:$0xA], $0x80, s26, s31, $0xb8;
	[tilespmem:$0x1E100] =	vst v63  }
0xcf: {  	_ =	swait.ge [sflag:s6], $0x2800  }
0xd0: {  	[sflag:s6] =	ssyncset.done $0x0  }
0xd1: {  	[sflag:s6] =	ssyncadd.s32 $0xFFFFD800  }
0xd2: {  	_ =	swait.ge [sflag:s7], $0x50  }
0xd3: {  	[sflag:s7] =	ssyncset.done $0x0  }
0xd4: {  	[sflag:s7] =	ssyncadd.s32 $0xFFFFFFB0  }
0xd5: {  	[spmem:s2] =	stream.indirect.scatter.add.f32 [tilespmem:s28], [sflag:$0x8], $0x80, s24, s31, $0xb8;
	[tilespmem:$0x1E100] =	vst v63  }
0xd6: {  	_ =	swait.ge [sflag:s9], $0x2800  }
0xd7: {  	[sflag:s9] =	ssyncset.done $0x0  }
0xd8: {  	[sflag:s9] =	ssyncadd.s32 $0xFFFFD800  }
0xd9: {  	_ =	swait.ge [sflag:s10], $0x50  }
0xda: {  	[sflag:s10] =	ssyncset.done $0x0  }
0xdb: {  	[sflag:s10] =	ssyncadd.s32 $0xFFFFFFB0  }
0xdc: {  	[spmem:s2] =	stream.indirect.scatter.add.f32 [tilespmem:s0], [sflag:$0x9], $0x80, s25, s31, $0xb8;
	[tilespmem:$0x1E100] =	vst v63  }
0xdd: {  	_ =	swait.ge [sflag:s15], $0x2800  }
0xde: {  	[sflag:s15] =	ssyncset.done $0x0  }
0xdf: {  	[sflag:s15] =	ssyncadd.s32 $0xFFFFD800  }
0xe0: {  	_ =	swait.ge [sflag:s8], $0x2800  }
0xe1: {  	[sflag:s8] =	ssyncset.done $0x0  }
0xe2: {  	[sflag:s8] =	ssyncadd.s32 $0xFFFFD800  }
0xe3: {  	_ =	swait.ge [sflag:s11], $0x2800  }
0xe4: {  	[sflag:s11] =	ssyncset.done $0x0  }
0xe5: {  	s19 =	stileid.u32;
	[sflag:s11] =	ssyncadd.s32 $0xFFFFD800  }
0xe6: {  	s17 =	sshll.u32 s19, $0x6;
	[bflag:$0x0] =	sbarrier.arrive $0xFFFF  }
0xe7: {  	s17 =	sor.u32 $0x1C0B, s17;
	s18 =	sshrl.u32 s12, $0x3;
	s19 =	rddreg [dreg:$0x9]  }
0xe8: {  	[hbm:s19], [sflag:s17] =	dma.local [spmem:s18], $0x2800  }
0xe9: {  	_ =	swait.ge [sflag:s29], $0x2800  }
0xea: {  	s16 =	sadd.s32 $0x1, s16;
	s20 =	rddreg [dreg:$0xa]  }
0xeb: {  	p0 =	sne.s32 s16, s20  }
.Ltmp2:
0xec: {  	_ = 	snop;
	(pc) =	sbr.rel @p0 .LBB2_1-.Ltmp2, $3  }
0xed: {  	_ =	sdelay $0x1  }
0xee: {  	[sflag:s29] =	ssyncset.done $0x0  }
0xef: {  	[sflag:s29] =	ssyncadd.s32 $0xFFFFD800  }
0xf0: {  	_ =	sfence.sel $0x180000  }
0xf1: {  	[bflag:$0x0] =	sbarrier.arrive $0xFFFF  }
0xf2: {  	_ =	strace $0x90000047  }
0xf3: {  	s0 =	stileid.u32;
	[bflag:$0x2] =	sbarrier.arrive $0xFFFF  }
0xf4: {  	p0 =	sne.s32 s0, $0x0;
	s0 =	rddreg [dreg:$0x3]  }
0xf5: {  	s0 =	sadd.s32 @!p0 $0x100000, s0  }
0xf6: {  	[sflag:s0] =	ssyncadd.tile.s32 @!p0 $0x1;
	_ =	shalt  }
.Lfunc_end2:
_tile_overlayer_lowered:
.L_overlay_start_2:
0xf7: {  	(tag) =	ssettag $0x2  }
0xf8: {  	s0 =	rddreg [dreg:$0x0];
	s2 =	stileid.u32  }
0xf9: {  	s1 =	rddreg [dreg:$0x1];
	p0 =	sne.s32 s2, $0x0  }
0xfa: {  	s3 =	rddreg [dreg:$0x2];
	[bflag:$0x3] =	sbarrier.arrive $0xFFFF;
	s2 =	simm.s32 @!p0 $0x1C0B  }
0xfb: {  	[timem:s3], [sflag:s2] =	dma.local @!p0 [hbm:s0], s1  }
0xfc: {  	s0 =	simm.s32 @!p0 $0xB  }
0xfd: {  	_ =	swait.ge @!p0 [sflag:s0], s1  }
0xfe: {  	s1 =	ssub.s32 @!p0 $0x0, s1;
	[sflag:s0] =	ssyncset.done @!p0 $0x0  }
0xff: {  	[sflag:s0] =	ssyncadd.s32 @!p0 s1  }
0x100: {  	[bflag:$0x3] =	sbarrier.arrive $0xFFFF  }
0x101: {  	_ =	shalt  }

// kernel: kernel.9.cloned.1.call-start
scs
__scs_entry_jumppad:
0x0: {  	(pc) =	sbr.rel $0x88, $3  }
0x1: {  	(tag) =	ssettag $0x0;
	lr =	simm.s32 $0x1  }
0x2: {  	[smem:$0x3F94] =	sst lr;
	_ =	strace $0xD0000000  }
0x3: {  	_ = 	snop  }
0x4: {  	_ = 	snop  }
0x5: {  	_ = 	snop  }
0x6: {  	_ = 	snop  }
0x7: {  	_ = 	snop  }
__scs_overlays_trampoline_lowered:
0x8: {  	[smem:$0x3FA3] =	sst s0  }
0x9: {  	[smem:$0x3FA4] =	sst s1  }
0xa: {  	[smem:$0x3FA5] =	sst s2  }
0xb: {  	[smem:$0x3FA6] =	sst s3  }
0xc: {  	[smem:$0x3FA7] =	sst s4  }
0xd: {  	[smem:$0x3FA8] =	sst s5  }
0xe: {  	[smem:$0x3FA9] =	sst s6  }
0xf: {  	[smem:$0x3FAA] =	sst s7  }
0x10: {  	[smem:$0x3FAB] =	sst s8  }
0x11: {  	[smem:$0x3FAC] =	sst s9;
	s0 =	simm.s32 @!p0 $0x0  }
0x12: {  	s1 =	sld [smem:$0x3F92];
	s0 =	simm.s32 @p0 $0x1  }
0x13: {  	[smem:$0x3FAD] =	sst s0;
	s0 =	simm.s32 @!p1 $0x0  }
0x14: {  	s2 =	sld [smem:$0x3F91];
	s0 =	simm.s32 @p1 $0x1  }
0x15: {  	[smem:$0x3FAE] =	sst s0;
	s0 =	simm.s32 @!p2 $0x0  }
0x16: {  	s3 =	sld [smem:$0x3FDB];
	s0 =	simm.s32 @p2 $0x1  }
0x17: {  	s4 =	simm.s32 $0x1BF5;
	[smem:$0x3FB0] =	sst s0  }
0x18: {  	s0 =	sld [smem:$0x3F93];
	_ =	swait.ge [sflag:s4], $0x0  }
0x19: {  	s7 =	sld [smem:$0x3F94]  }
0x1a: {  	s8 =	sadd.s32 $0xFFFFE003, lr  }
0x1b: {  	s9 =	sadd.s32 $0xFFFFFEF7, lr;
	s5 =	simm.s32 $0xFFFFFFFF;
	p2 =	slt.u32 s8, $0xFFFFF086  }
0x1c: {  	p1 =	slt.u32 s9, $0xF7A;
	s5 =	simm.s32 @!p2 $0x0  }
0x1d: {  	s5 =	simm.s32 @p1 $0x1;
	p0 =	seq.s32 s7, s2  }
0x1e: {  	s7 =	smul.u32 @!p0 $0xF7A, s2;
	p2 =	seq.s32 @!p0 s5, $0x0  }
0x1f: {  	s9 =	smul.u32 $0xF7A, s1;
	s8 =	simm.s32 @!p0 $0x1BF5;
	p2 =	por !p2, p0  }
0x20: {  	[sflag:s8] =	ssyncset.s32 @!p0 $0xFFFFF086;
	s6 =	sadd.s32 @!p0 s3, s7;
	s7 =	simm.s32 @!p0 $0x108  }
0x21: {  	s3 =	sadd.s32 s3, s9;
	s6 =	sadd.s32 @!p0 $0x88, s6;
	s7 =	simm.s32 @p2 $0x1082  }
0x22: {  	[simem:s7], [sflag:s8] =	dma.local @!p0 [hbm:s6], $0xF7A  }
0x23: {  	s9 =	sor.u32 $0xD0000000, s2;
	s6 =	simm.s32 $0x108;
	_ =	swait.ge @!p0 [sflag:s8], $0x0  }
0x24: {  	s3 =	sadd.s32 $0x88, s3;
	s6 =	simm.s32 @!p1 $0x1082;
	[sflag:s4] =	ssyncset.s32 $0xFFFFF086  }
0x25: {  	[simem:s6], [sflag:s4] =	dma.local [hbm:s3], $0xF7A  }
0x26: {  	[smem:$0x3F94] =	sst s1;
	(tag) =	ssettag s2;
	_ =	strace s9  }
0x27: {  	s1 =	sld [smem:$0x3FA4]  }
0x28: {  	s2 =	sld [smem:$0x3FA5]  }
0x29: {  	s4 =	sld [smem:$0x3FA7]  }
0x2a: {  	p0 =	seq.s32 s5, $0x0;
	s5 =	sld [smem:$0x3FA8]  }
0x2b: {  	s6 =	sld [smem:$0x3FA9]  }
0x2c: {  	s7 =	sld [smem:$0x3FAA]  }
0x2d: {  	s3 =	simm.s32 $0x108;
	s8 =	sld [smem:$0x3FAB]  }
0x2e: {  	s3 =	simm.s32 @!p0 $0x1082;
	s9 =	sld [smem:$0x3FAC]  }
0x2f: {  	lr =	sadd.s32 s0, s3;
	s0 =	sld [smem:$0x3FA3]  }
0x30: {  	s3 =	sld [smem:$0x3FA6]  }
0x31: {  	[smem:$0x3FAF] =	sst s10  }
0x32: {  	s10 =	sld [smem:$0x3FAD];
	_ =	sdelay $0x3  }
0x33: {  	p0 =	seq.s32 s10, $0x1;
	s10 =	sld [smem:$0x3FAF];
	_ =	sdelay $0x3  }
0x34: {  	[smem:$0x3FAF] =	sst s10  }
0x35: {  	s10 =	sld [smem:$0x3FAE];
	_ =	sdelay $0x3  }
0x36: {  	p1 =	seq.s32 s10, $0x1;
	s10 =	sld [smem:$0x3FAF];
	_ =	sdelay $0x3  }
0x37: {  	[smem:$0x3FAF] =	sst s10  }
0x38: {  	s10 =	sld [smem:$0x3FB0]  }
0x39: {  	_ = 	snop;
	(pc) =	sbr.ind lr, $3  }
0x3a: {  	_ = 	snop  }
0x3b: {  	_ = 	snop  }
0x3c: {  	p2 =	seq.s32 s10, $0x1;
	s10 =	sld [smem:$0x3FAF]  }
0x3d: {  	_ =	shalt  }
0x3e: {  	_ =	shalt  }
0x3f: {  	_ =	shalt  }
0x40: {  	_ =	shalt  }
0x41: {  	_ =	shalt  }
0x42: {  	_ =	shalt  }
0x43: {  	_ =	shalt  }
0x44: {  	_ =	shalt  }
0x45: {  	_ =	shalt  }
0x46: {  	_ =	shalt  }
0x47: {  	_ =	shalt  }
0x48: {  	_ =	shalt  }
0x49: {  	_ =	shalt  }
0x4a: {  	_ =	shalt  }
0x4b: {  	_ =	shalt  }
0x4c: {  	_ =	shalt  }
0x4d: {  	_ =	shalt  }
0x4e: {  	_ =	shalt  }
0x4f: {  	_ =	shalt  }
0x50: {  	_ =	shalt  }
0x51: {  	_ =	shalt  }
0x52: {  	_ =	shalt  }
0x53: {  	_ =	shalt  }
0x54: {  	_ =	shalt  }
0x55: {  	_ =	shalt  }
0x56: {  	_ =	shalt  }
0x57: {  	_ =	shalt  }
0x58: {  	_ =	shalt  }
0x59: {  	_ =	shalt  }
0x5a: {  	_ =	shalt  }
0x5b: {  	_ =	shalt  }
0x5c: {  	_ =	shalt  }
0x5d: {  	_ =	shalt  }
0x5e: {  	_ =	shalt  }
0x5f: {  	_ =	shalt  }
0x60: {  	_ =	shalt  }
0x61: {  	_ =	shalt  }
0x62: {  	_ =	shalt  }
0x63: {  	_ =	shalt  }
0x64: {  	_ =	shalt  }
0x65: {  	_ =	shalt  }
0x66: {  	_ =	shalt  }
0x67: {  	_ =	shalt  }
0x68: {  	_ =	shalt  }
0x69: {  	_ =	shalt  }
0x6a: {  	_ =	shalt  }
0x6b: {  	_ =	shalt  }
0x6c: {  	_ =	shalt  }
0x6d: {  	_ =	shalt  }
0x6e: {  	_ =	shalt  }
0x6f: {  	_ =	shalt  }
0x70: {  	_ =	shalt  }
0x71: {  	_ =	shalt  }
0x72: {  	_ =	shalt  }
0x73: {  	_ =	shalt  }
0x74: {  	_ =	shalt  }
0x75: {  	_ =	shalt  }
0x76: {  	_ =	shalt  }
0x77: {  	_ =	shalt  }
0x78: {  	_ =	shalt  }
0x79: {  	_ =	shalt  }
0x7a: {  	_ =	shalt  }
0x7b: {  	_ =	shalt  }
0x7c: {  	_ =	shalt  }
0x7d: {  	_ =	shalt  }
0x7e: {  	_ =	shalt  }
0x7f: {  	_ =	shalt  }
0x80: {  	_ =	shalt  }
0x81: {  	_ =	shalt  }
0x82: {  	_ =	shalt  }
0x83: {  	_ =	shalt  }
0x84: {  	_ =	shalt  }
0x85: {  	_ =	shalt  }
0x86: {  	_ =	shalt  }
0x87: {  	_ =	shalt  }
.Lfunc_end0:
.L_simem_size_0:
called_computation.1_lowered:
.L_overlay_start_0:
0x88: {  	s2 =	sld [smem:$0x3FD9]  }
0x89: {  	s3 =	sld [smem:$0x3FFE];
	_ =	sdelay $0x1  }
0x8a: {  	s1 =	srdreg.scid  }
0x8b: {  	s0 =	sand.u32 $0x1, s1  }
0x8c: {  	s16 =	sshll.u32 s0, $0xA;
	s2 =	sadd.s32 s3, s2  }
0x8d: {  	s2 =	sadd.s32 s2, s16  }
0x8e: {  	[smem:$0x3FBB] =	sst s2  }
0x8f: {  	_ = 	snop  }
0x90: {  	(tm) =	ssettm $0x1  }
0x91: {  	s17 =	sld [smem:$0x3FFB];
	_ =	sdelay $0x3  }
0x92: {  	_ =	strace s17  }
0x93: {  	s2 =	sld [smem:$0x3FFC];
	_ =	sdelay $0x3  }
0x94: {  	_ =	strace s2  }
0x95: {  	s2 =	sld [smem:$0x3FFD];
	_ =	sdelay $0x3  }
0x96: {  	_ =	strace s2  }
0x97: {  	_ =	strace $0x8FFFFFFF  }
0x98: {  	s18 =	sld [smem:$0x3FDB];
	_ =	sdelay $0x1  }
0x99: {  	s19 =	simm.s32 $_scs_section_size  }
0x9a: {  	s4 =	simm.s32 $_size__tile_overlayer_lowered;
	s5 =	simm.s32 $_tile_overlayer_lowered  }
0x9b: {  	s22 =	simm.s32 $0x1BFF;
	s21 =	sshll.u32 s5, $0x1;
	s2 =	sadd.s32 s19, s18  }
0x9c: {  	s6 =	simm.s32 $0x0;
	s20 =	sshll.u32 s4, $0x1;
	s4 =	sadd.s32 s21, s2  }
0x9d: {  	[timem:s6], [sflag:s22] =	dma.local [hbm:s4], s20  }
0x9e: {  	_ =	swait.ge [sflag:s22], s20  }
0x9f: {  	s3 =	ssub.s32 $0x0, s20;
	[sflag:s22] =	ssyncset.done $0x0  }
0xa0: {  	[sflag:s22] =	ssyncadd.s32 s3;
	_ =	sdelay $0x1  }
0xa1: {  	s23 =	simm.s32 $0x1B8B  }
0xa2: {  	_ =	swait.ge [sflag:s23], $0x1  }
0xa3: {  	[sflag:s23] =	ssyncset.done $0x0  }
0xa4: {  	s25 =	simm.s32 $0x1B8E;
	s24 =	sld [smem:$0x3FFE];
	[sflag:s23] =	ssyncadd.s32 $0xFFFFFFFF  }
0xa5: {  	s26 =	simm.s32 $execute0_lowered;
	[smem:$0x3FD2] =	sst s25  }
0xa6: {  	s4 =	sshll.u32 s26, $0x1;
	_ =	strace $0x80000049;
	[dreg:$0x1] =	wrdreg $0xFFFFFFFF  }
0xa7: {  	s28 =	simm.s32 $_size_execute0_lowered;
	s2 =	sadd.s32 s2, s4;
	[dreg:$0x0] =	wrdreg $0x0  }
0xa8: {  	s4 =	sshll.u32 s28, $0x1;
	[dreg:$0x2] =	wrdreg s2  }
0xa9: {  	[dreg:$0x3] =	wrdreg s4  }
0xaa: {  	[dreg:$0x4] =	wrdreg $0xC0  }
0xab: {  	_ =	task [dreg:s6], $0x5FFFF  }
0xac: {  	[dreg:$0x1] =	wrdreg $0xFFFFFFFF  }
0xad: {  	[dreg:$0x0] =	wrdreg $0x60  }
0xae: {  	[dreg:$0x2] =	wrdreg s24  }
0xaf: {  	[dreg:$0x3] =	wrdreg $0xA1000  }
0xb0: {  	[dreg:$0x4] =	wrdreg $0x9  }
0xb1: {  	_ =	task.clear_ibuf [dreg:s6], $0x5FFFF;
	_ =	strace $0x90000049  }
0xb2: {  	s29 =	simm.s32 $0x9;
	_ =	strace $0x8000004B  }
0xb3: {  	_ =	swait.ge [sflag:s29], $0x1  }
0xb4: {  	[sflag:s29] =	ssyncadd.s32 $0xFFFFFFFF  }
0xb5: {  	_ =	strace $0x9000004B  }
0xb6: {  	_ =	sfence  }
0xb7: {  	s30 =	sld [smem:$0x0];
	_ =	sdelay $0x2  }
0xb8: {  	s31 =	sshll.u32 s1, $0xD;
	s1 =	sshrl.u32 s1, $0x2  }
0xb9: {  	s3 =	sand.u32 $0x4000, s31;
	s1 =	sadd.s32 s1, s30  }
0xba: {  	s0 =	sor.u32 s3, s0;
	s1 =	sshll.u32 s1, $0x11  }
0xbb: {  	s0 =	sor.u32 s1, s0  }
0xbc: {  	s0 =	sadd.s32 $0x8F2B, s0  }
0xbd: {  	[sflag:s0] =	ssyncadd.remote.s32 $0x1  }
0xbe: {  	_ =	sfence.sel $0xFFFF  }
0xbf: {  	[dreg:$0x0] =	wrdreg $0xFFFFFFFF;
	(pc) =	sbr.abs _section_cstart, $3  }
0xc0: {  	[dreg:$0x1] =	wrdreg $0xFFFFFFFF  }
0xc1: {  	_ =	task.clear_ibuf [dreg:s6], $0x2FFFF;
	_ =	strace $0x9FFFFFFF  }
0xc2: {  	(tm) =	ssettm $0x7FFFFFFF  }
0xc3: {  	_ =	shalt  }
tec
execute0_lowered:
.L_overlay_start_1:
0x0: {  	(tag) =	ssettag $0x1  }
0x1: {  	s0 =	rddreg [dreg:$0x0]  }
0x2: {  	s1 =	rddreg [dreg:$0x1]  }
0x3: {  	s2 =	srdreg.scid;
	s10 =	stileid.u32  }
0x4: {  	s3 =	simm.s32 $0x0;
	s28 =	simm.s32 $0x2900;
	s6 =	smul.u32 $0x14000, s10  }
0x5: {  	s29 =	simm.s32 $0xB;
	s30 =	simm.s32 $0x1;
	s26 =	smul.u32 $0x50000, s10  }
0x6: {  	s31 =	simm.s32 $0x50;
	s2 =	sand.u32 $0x1, s2;
	s16 =	smul.u32 $0x2710, s10  }
0x7: {  	[smem:$0x7FF] =	sst s3;
	s8 =	sadd.s32 $0x2E00, s0;
	s5 =	smul.u32 $0x140000, s2  }
0x8: {  	s4 =	sshll.u32 s2, $0x4;
	_ =	strace $0x8000004A;
	s24 =	ssub.s32 $0x2, s2  }
0x9: {  	s2 =	smul.u32 $0x27100, s2;
	s7 =	sor.u32 s10, s4;
	s4 =	sadd.s32 $0x16800, s0  }
0xa: {  	s9 =	sshrl.u32 s24, $0x1;
	s7 =	smul.u32 $0x2710, s7;
	s5 =	sadd.s32 s6, s5  }
0xb: {  	s14 =	sshrl.u32 s26, $0x2;
	s6 =	ssub.s32 s24, s9;
	s5 =	sshrl.u32 s5, $0x3  }
0xc: {  	s15 =	smax.u32 s6, $0x1;
	s7 =	sshrl.u32 s7, $0x3;
	s0 =	sadd.s32 s5, s0  }
0xd: {  	[dreg:$0x9] =	wrdreg s15;
	s5 =	sadd.s32 s8, s7;
	s0 =	sadd.s32 $0x3DA00, s0  }
0xe: {  	s10 =	simm.s32 $0x6;
	s7 =	sadd.s32 $0x9C40, s5;
	[dreg:$0x8] =	wrdreg s0  }
0xf: {  	s9 =	simm.s32 $0x3;
	s25 =	sadd.s32 $0x9C4A, s5;
	[dreg:$0x3] =	wrdreg s7  }
0x10: {  	s6 =	simm.s32 $0x2;
	s11 =	sadd.s32 $0x9C54, s5;
	[dreg:$0x4] =	wrdreg s25  }
0x11: {  	s15 =	simm.s32 $0xA;
	s12 =	sadd.s32 $0xA10E, s5;
	[dreg:$0x5] =	wrdreg s11  }
0x12: {  	s13 =	sadd.s32 $0xA118, s5;
	s0 =	sadd.s32 s16, s2;
	[dreg:$0x6] =	wrdreg s12  }
0x13: {  	s16 =	simm.s32 $0x0;
	[dreg:$0x7] =	wrdreg s13;
	s12 =	sadd.s32 s14, s1  }
0x14: {  	s24 =	sadd.s32 $0x4E390, s0;
	s25 =	sadd.s32 $0x4E340, s0;
	s0 =	sadd.s32 $0x4E2F0, s0  }
0x15: {  	s7 =	simm.s32 $0x5;
	s11 =	simm.s32 $0x9;
	s17 =	sadd.s32 $0x2800, s12  }
0x16: {  	s13 =	simm.s32 $0x4;
	s18 =	sadd.s32 $0x5000, s12;
	[dreg:$0xa] =	wrdreg s17  }
0x17: {  	s14 =	simm.s32 $0x7;
	s19 =	sadd.s32 $0x7800, s12;
	[dreg:$0xb] =	wrdreg s18  }
0x18: {  	s20 =	sadd.s32 $0xA000, s12;
	s21 =	sadd.s32 $0xC800, s12;
	[dreg:$0xc] =	wrdreg s19  }
0x19: {  	s22 =	sadd.s32 $0xF000, s12;
	s23 =	sadd.s32 $0x11800, s12;
	[dreg:$0xd] =	wrdreg s20  }
0x1a: {  	s2 =	sshrl.u32 s24, $0x3;
	s26 =	sshrl.u32 s25, $0x3;
	[dreg:$0xe] =	wrdreg s21  }
0x1b: {  	s0 =	sshrl.u32 s0, $0x3;
	s24 =	simm.s32 $0x2780;
	[dreg:$0xf] =	wrdreg s22  }
0x1c: {  	s25 =	simm.s32 $0x2800;
	[dreg:$0x10] =	wrdreg s23;
	s21 =	sadd.s32 s2, s8  }
0x1d: {  	s22 =	sadd.s32 s26, s8;
	s23 =	sadd.s32 s0, s8;
	s26 =	simm.s32 $0x2880  }
0x1e: {  	v0 =	vimm.f32 $0.0e+00;
	s0 =	simm.s32 $0x5100;
	s2 =	simm.s32 $0x7900;
	s8 =	simm.s32 $0x8  }
.LBB2_1:
0x1f: {  	[tilespmem:s3], [sflag:$0x1] =	stream.linear.gather [hbm4b:s5+s3], $0x2710, $0x38;
	[tilespmem:$0x1E100] =	vst v63  }
0x20: {  	s17 =	rddreg [dreg:$0x3]  }
0x21: {  	[tilespmem:s24], [sflag:$0x5] =	stream.linear.gather [hbm4b:s17+s3], $0x50, $0x38;
	[tilespmem:$0x1E100] =	vst v63  }
0x22: {  	s19 =	rddreg [dreg:$0x4]  }
0x23: {  	[tilespmem:s25], [sflag:$0x6] =	stream.linear.gather [hbm4b:s19+s3], $0x50, $0x38;
	[tilespmem:$0x1E100] =	vst v63  }
0x24: {  	s20 =	rddreg [dreg:$0x5];
	s18 =	simm.s32 $0x3C0;
	s17 =	simm.s32 $0x70  }
0x25: {  	[tilespmem:s26], [sflag:$0x7] =	stream.linear.gather [hbm4b:s20+s3], $0x50, $0x38;
	[tilespmem:$0x1E100] =	vst v63  }
.LBB2_2:
0x26: {  	p0 =	sne.s32 s18, $0x9FC0;
	[tilespmem:s17+$0x2900] =	vst v0  }
0x27: {  	[tilespmem:s17+$0x2890] =	vst v0  }
0x28: {  	[tilespmem:s17+$0x28A0] =	vst v0  }
.Ltmp0:
0x29: {  	[tilespmem:s17+$0x28B0] =	vst v0;
	(pc) =	sbr.rel @p0 .LBB2_2-.Ltmp0, $4  }
0x2a: {  	[tilespmem:s17+$0x28C0] =	vst v0  }
0x2b: {  	[tilespmem:s17+$0x28D0] =	vst v0  }
0x2c: {  	[tilespmem:s17+$0x28E0] =	vst v0  }
0x2d: {  	[tilespmem:s17+$0x28F0] =	vst v0;
	s17 =	sshra.s32 s18, $0x2;
	s18 =	sadd.s32 $0x200, s18  }
0x2e: {  	[tilespmem:s17+$0x2900] =	vst v0  }
0x2f: {  	[tilespmem:s17+$0x2890] =	vst v0  }
0x30: {  	[tilespmem:s17+$0x28A0] =	vst v0  }
0x31: {  	[tilespmem:s17+$0x28B0] =	vst v0  }
0x32: {  	[tilespmem:s17+$0x28C0] =	vst v0  }
0x33: {  	[tilespmem:s17+$0x28D0] =	vst v0  }
0x34: {  	[tilespmem:s17+$0x28E0] =	vst v0  }
0x35: {  	[tilespmem:s17+$0x28F0] =	vst v0  }
0x36: {  	[spmem:s12] =	stream.linear.scatter [tilespmem:s28], [sflag:$0xB], $0x2800, $0x38;
	[tilespmem:$0x1E100] =	vst v63  }
0x37: {  	_ =	swait.ge [sflag:s29], $0x2800  }
0x38: {  	[sflag:s29] =	ssyncset.done $0x0  }
0x39: {  	s18 =	rddreg [dreg:$0xa];
	[sflag:s29] =	ssyncadd.s32 $0xFFFFD800  }
0x3a: {  	[spmem:s18] =	stream.linear.scatter [tilespmem:s28], [sflag:$0xB], $0x2800, $0x38;
	[tilespmem:$0x1E100] =	vst v63  }
0x3b: {  	_ =	swait.ge [sflag:s29], $0x2800  }
0x3c: {  	[sflag:s29] =	ssyncset.done $0x0  }
0x3d: {  	s19 =	rddreg [dreg:$0xb];
	[sflag:s29] =	ssyncadd.s32 $0xFFFFD800  }
0x3e: {  	[spmem:s19] =	stream.linear.scatter [tilespmem:s28], [sflag:$0xB], $0x2800, $0x38;
	[tilespmem:$0x1E100] =	vst v63  }
0x3f: {  	_ =	swait.ge [sflag:s29], $0x2800  }
0x40: {  	[sflag:s29] =	ssyncset.done $0x0  }
0x41: {  	s20 =	rddreg [dreg:$0xc];
	[sflag:s29] =	ssyncadd.s32 $0xFFFFD800  }
0x42: {  	[spmem:s20] =	stream.linear.scatter [tilespmem:s28], [sflag:$0xB], $0x2800, $0x38;
	[tilespmem:$0x1E100] =	vst v63  }
0x43: {  	_ =	swait.ge [sflag:s29], $0x2800  }
0x44: {  	[sflag:s29] =	ssyncset.done $0x0  }
0x45: {  	s18 =	rddreg [dreg:$0xd];
	[sflag:s29] =	ssyncadd.s32 $0xFFFFD800  }
0x46: {  	[spmem:s18] =	stream.linear.scatter [tilespmem:s28], [sflag:$0xB], $0x2800, $0x38;
	[tilespmem:$0x1E100] =	vst v63  }
0x47: {  	_ =	swait.ge [sflag:s29], $0x2800  }
0x48: {  	[sflag:s29] =	ssyncset.done $0x0  }
0x49: {  	s19 =	rddreg [dreg:$0xe];
	[sflag:s29] =	ssyncadd.s32 $0xFFFFD800  }
0x4a: {  	[spmem:s19] =	stream.linear.scatter [tilespmem:s28], [sflag:$0xB], $0x2800, $0x38;
	[tilespmem:$0x1E100] =	vst v63  }
0x4b: {  	_ =	swait.ge [sflag:s29], $0x2800  }
0x4c: {  	[sflag:s29] =	ssyncset.done $0x0  }
0x4d: {  	s20 =	rddreg [dreg:$0xf];
	[sflag:s29] =	ssyncadd.s32 $0xFFFFD800  }
0x4e: {  	[spmem:s20] =	stream.linear.scatter [tilespmem:s28], [sflag:$0xB], $0x2800, $0x38;
	[tilespmem:$0x1E100] =	vst v63  }
0x4f: {  	_ =	swait.ge [sflag:s29], $0x2800  }
0x50: {  	[sflag:s29] =	ssyncset.done $0x0  }
0x51: {  	s18 =	rddreg [dreg:$0x10];
	[sflag:s29] =	ssyncadd.s32 $0xFFFFD800  }
0x52: {  	[spmem:s18] =	stream.linear.scatter [tilespmem:s28], [sflag:$0xB], $0x2800, $0x38;
	[tilespmem:$0x1E100] =	vst v63  }
0x53: {  	_ =	swait.ge [sflag:s29], $0x2800  }
0x54: {  	[sflag:s29] =	ssyncset.done $0x0  }
0x55: {  	[sflag:s29] =	ssyncadd.s32 $0xFFFFD800  }
0x56: {  	_ =	swait.ge [sflag:s30], $0x2710  }
0x57: {  	[sflag:s30] =	ssyncset.done $0x0  }
0x58: {  	[sflag:s30] =	ssyncadd.s32 $0xFFFFD8F0  }
0x59: {  	s19 =	simm.s32 $0x0;
	[bflag:$0x0] =	sbarrier.arrive $0xFFFF  }
0x5a: {  	[tilespmem:s28], [sflag:$0x2] =	stream.indirect.gather [hbm4b:s4+s31], $0x80, s19, s31, $0xb8;
	[tilespmem:$0x1E100] =	vst v63  }
0x5b: {  	_ = 	snop  }
0x5c: {  	[tilespmem:s0], [sflag:$0x3] =	stream.indirect.gather [hbm4b:s4+s31], $0x80, s31, s31, $0xb8;
	[tilespmem:$0x1E100] =	vst v63  }
0x5d: {  	s20 =	simm.s32 $0xA0  }
0x5e: {  	[tilespmem:s2], [sflag:$0x4] =	stream.indirect.gather [hbm4b:s4+s31], $0x80, s20, s31, $0xb8;
	[tilespmem:$0x1E100] =	vst v63  }
0x5f: {  	_ =	swait.ge [sflag:s6], $0x2800  }
0x60: {  	[sflag:s6] =	ssyncset.done $0x0  }
0x61: {  	[sflag:s6] =	ssyncadd.s32 $0xFFFFD800  }
0x62: {  	_ =	swait.ge [sflag:s7], $0x50  }
0x63: {  	[sflag:s7] =	ssyncset.done $0x0  }
0x64: {  	[sflag:s7] =	ssyncadd.s32 $0xFFFFFFB0  }
0x65: {  	[spmem:s1] =	stream.indirect.scatter.add.f32 [tilespmem:s28], [sflag:$0x8], $0x80, s24, s31, $0xb8;
	[tilespmem:$0x1E100] =	vst v63  }
0x66: {  	_ =	swait.ge [sflag:s8], $0x2800  }
0x67: {  	[sflag:s8] =	ssyncset.done $0x0  }
0x68: {  	s18 =	sadd.s32 $0x0, s23;
	[sflag:s8] =	ssyncadd.s32 $0xFFFFD800  }
0x69: {  	[tilespmem:s24], [sflag:$0x5] =	stream.linear.gather [hbm4b:s18+s3], $0x50, $0x38;
	[tilespmem:$0x1E100] =	vst v63  }
0x6a: {  	s19 =	simm.s32 $0xF0  }
0x6b: {  	[tilespmem:s28], [sflag:$0x2] =	stream.indirect.gather [hbm4b:s4+s31], $0x80, s19, s31, $0xb8;
	[tilespmem:$0x1E100] =	vst v63  }
0x6c: {  	_ =	swait.ge [sflag:s9], $0x2800  }
0x6d: {  	[sflag:s9] =	ssyncset.done $0x0  }
0x6e: {  	[sflag:s9] =	ssyncadd.s32 $0xFFFFD800  }
0x6f: {  	_ =	swait.ge [sflag:s10], $0x50  }
0x70: {  	[sflag:s10] =	ssyncset.done $0x0  }
0x71: {  	[sflag:s10] =	ssyncadd.s32 $0xFFFFFFB0  }
0x72: {  	[spmem:s1] =	stream.indirect.scatter.add.f32 [tilespmem:s0], [sflag:$0x9], $0x80, s25, s31, $0xb8;
	[tilespmem:$0x1E100] =	vst v63  }
0x73: {  	_ =	swait.ge [sflag:s11], $0x2800  }
0x74: {  	[sflag:s11] =	ssyncset.done $0x0  }
0x75: {  	s20 =	sadd.s32 $0x0, s22;
	[sflag:s11] =	ssyncadd.s32 $0xFFFFD800  }
0x76: {  	[tilespmem:s25], [sflag:$0x6] =	stream.linear.gather [hbm4b:s20+s3], $0x50, $0x38;
	[tilespmem:$0x1E100] =	vst v63  }
0x77: {  	s18 =	simm.s32 $0x140  }
0x78: {  	[tilespmem:s0], [sflag:$0x3] =	stream.indirect.gather [hbm4b:s4+s31], $0x80, s18, s31, $0xb8;
	[tilespmem:$0x1E100] =	vst v63  }
0x79: {  	_ =	swait.ge [sflag:s13], $0x2800  }
0x7a: {  	[sflag:s13] =	ssyncset.done $0x0  }
0x7b: {  	[sflag:s13] =	ssyncadd.s32 $0xFFFFD800  }
0x7c: {  	_ =	swait.ge [sflag:s14], $0x50  }
0x7d: {  	[sflag:s14] =	ssyncset.done $0x0  }
0x7e: {  	[sflag:s14] =	ssyncadd.s32 $0xFFFFFFB0  }
0x7f: {  	[spmem:s1] =	stream.indirect.scatter.add.f32 [tilespmem:s2], [sflag:$0xA], $0x80, s26, s31, $0xb8;
	[tilespmem:$0x1E100] =	vst v63  }
0x80: {  	_ =	swait.ge [sflag:s15], $0x2800  }
0x81: {  	[sflag:s15] =	ssyncset.done $0x0  }
0x82: {  	s19 =	sadd.s32 $0x0, s21;
	[sflag:s15] =	ssyncadd.s32 $0xFFFFD800  }
0x83: {  	[tilespmem:s26], [sflag:$0x7] =	stream.linear.gather [hbm4b:s19+s3], $0x50, $0x38;
	[tilespmem:$0x1E100] =	vst v63  }
0x84: {  	s20 =	simm.s32 $0x190  }
0x85: {  	[tilespmem:s2], [sflag:$0x4] =	stream.indirect.gather [hbm4b:s4+s31], $0x80, s20, s31, $0xb8;
	[tilespmem:$0x1E100] =	vst v63  }
0x86: {  	_ =	swait.ge [sflag:s6], $0x2800  }
0x87: {  	[sflag:s6] =	ssyncset.done $0x0  }
0x88: {  	[sflag:s6] =	ssyncadd.s32 $0xFFFFD800  }
0x89: {  	_ =	swait.ge [sflag:s7], $0x50  }
0x8a: {  	[sflag:s7] =	ssyncset.done $0x0  }
0x8b: {  	s17 =	simm.s32 $0x1E;
	s18 =	simm.s32 $0x280;
	[sflag:s7] =	ssyncadd.s32 $0xFFFFFFB0  }
.LBB2_4:
0x8c: {  	[spmem:s1] =	stream.indirect.scatter.add.f32 [tilespmem:s28], [sflag:$0x8], $0x80, s24, s31, $0xb8;
	[tilespmem:$0x1E100] =	vst v63  }
0x8d: {  	s19 =	smov.u32 s17  }
0x8e: {  	p0 =	sne.s32 s17, $0x492;
	s17 =	sadd.s32 $0x1E, s17;
	_ =	swait.ge [sflag:s8], $0x2800  }
0x8f: {  	[sflag:s8] =	ssyncset.done $0x0  }
0x90: {  	s20 =	sadd.s32 s19, s23;
	[sflag:s8] =	ssyncadd.s32 $0xFFFFD800  }
0x91: {  	[tilespmem:s24], [sflag:$0x5] =	stream.linear.gather [hbm4b:s20+s3], $0x50, $0x38;
	[tilespmem:$0x1E100] =	vst v63  }
0x92: {  	s20 =	sadd.s32 $0xFFFFFF60, s18  }
0x93: {  	[tilespmem:s28], [sflag:$0x2] =	stream.indirect.gather [hbm4b:s4+s31], $0x80, s20, s31, $0xb8;
	[tilespmem:$0x1E100] =	vst v63  }
0x94: {  	_ =	swait.ge [sflag:s9], $0x2800  }
0x95: {  	[sflag:s9] =	ssyncset.done $0x0  }
0x96: {  	[sflag:s9] =	ssyncadd.s32 $0xFFFFD800  }
0x97: {  	_ =	swait.ge [sflag:s10], $0x50  }
0x98: {  	[sflag:s10] =	ssyncset.done $0x0  }
0x99: {  	[sflag:s10] =	ssyncadd.s32 $0xFFFFFFB0  }
0x9a: {  	[spmem:s1] =	stream.indirect.scatter.add.f32 [tilespmem:s0], [sflag:$0x9], $0x80, s25, s31, $0xb8;
	[tilespmem:$0x1E100] =	vst v63  }
0x9b: {  	_ =	swait.ge [sflag:s11], $0x2800  }
0x9c: {  	[sflag:s11] =	ssyncset.done $0x0  }
0x9d: {  	s20 =	sadd.s32 s19, s22;
	[sflag:s11] =	ssyncadd.s32 $0xFFFFD800  }
0x9e: {  	[tilespmem:s25], [sflag:$0x6] =	stream.linear.gather [hbm4b:s20+s3], $0x50, $0x38;
	[tilespmem:$0x1E100] =	vst v63  }
0x9f: {  	s20 =	sadd.s32 $0xFFFFFFB0, s18  }
0xa0: {  	[tilespmem:s0], [sflag:$0x3] =	stream.indirect.gather [hbm4b:s4+s31], $0x80, s20, s31, $0xb8;
	[tilespmem:$0x1E100] =	vst v63  }
0xa1: {  	_ =	swait.ge [sflag:s13], $0x2800  }
0xa2: {  	[sflag:s13] =	ssyncset.done $0x0  }
0xa3: {  	[sflag:s13] =	ssyncadd.s32 $0xFFFFD800  }
0xa4: {  	_ =	swait.ge [sflag:s14], $0x50  }
0xa5: {  	[sflag:s14] =	ssyncset.done $0x0  }
0xa6: {  	[sflag:s14] =	ssyncadd.s32 $0xFFFFFFB0  }
0xa7: {  	[spmem:s1] =	stream.indirect.scatter.add.f32 [tilespmem:s2], [sflag:$0xA], $0x80, s26, s31, $0xb8;
	[tilespmem:$0x1E100] =	vst v63  }
0xa8: {  	_ =	swait.ge [sflag:s15], $0x2800  }
0xa9: {  	[sflag:s15] =	ssyncset.done $0x0  }
0xaa: {  	s19 =	sadd.s32 s19, s21;
	[sflag:s15] =	ssyncadd.s32 $0xFFFFD800  }
0xab: {  	[tilespmem:s26], [sflag:$0x7] =	stream.linear.gather [hbm4b:s19+s3], $0x50, $0x38;
	[tilespmem:$0x1E100] =	vst v63  }
0xac: {  	_ = 	snop  }
0xad: {  	[tilespmem:s2], [sflag:$0x4] =	stream.indirect.gather [hbm4b:s4+s31], $0x80, s18, s31, $0xb8;
	[tilespmem:$0x1E100] =	vst v63  }
0xae: {  	_ =	swait.ge [sflag:s6], $0x2800  }
.Ltmp1:
0xaf: {  	[sflag:s6] =	ssyncset.done $0x0;
	(pc) =	sbr.rel @p0 .LBB2_4-.Ltmp1, $4  }
0xb0: {  	[sflag:s6] =	ssyncadd.s32 $0xFFFFD800  }
0xb1: {  	_ =	swait.ge [sflag:s7], $0x50  }
0xb2: {  	[sflag:s7] =	ssyncset.done $0x0  }
0xb3: {  	s18 =	sadd.s32 $0xF0, s18;
	[sflag:s7] =	ssyncadd.s32 $0xFFFFFFB0  }
0xb4: {  	[spmem:s1] =	stream.indirect.scatter.add.f32 [tilespmem:s28], [sflag:$0x8], $0x80, s24, s31, $0xb8;
	[tilespmem:$0x1E100] =	vst v63  }
0xb5: {  	_ =	swait.ge [sflag:s8], $0x2800  }
0xb6: {  	[sflag:s8] =	ssyncset.done $0x0  }
0xb7: {  	s17 =	rddreg [dreg:$0x6];
	[sflag:s8] =	ssyncadd.s32 $0xFFFFD800  }
0xb8: {  	[tilespmem:s24], [sflag:$0x5] =	stream.linear.gather [hbm4b:s17+s3], $0x50, $0x38;
	[tilespmem:$0x1E100] =	vst v63  }
0xb9: {  	s19 =	simm.s32 $0x2670  }
0xba: {  	[tilespmem:s28], [sflag:$0x2] =	stream.indirect.gather [hbm4b:s4+s31], $0x80, s19, s31, $0xb8;
	[tilespmem:$0x1E100] =	vst v63  }
0xbb: {  	_ =	swait.ge [sflag:s9], $0x2800  }
0xbc: {  	[sflag:s9] =	ssyncset.done $0x0  }
0xbd: {  	[sflag:s9] =	ssyncadd.s32 $0xFFFFD800  }
0xbe: {  	_ =	swait.ge [sflag:s10], $0x50  }
0xbf: {  	[sflag:s10] =	ssyncset.done $0x0  }
0xc0: {  	[sflag:s10] =	ssyncadd.s32 $0xFFFFFFB0  }
0xc1: {  	[spmem:s1] =	stream.indirect.scatter.add.f32 [tilespmem:s0], [sflag:$0x9], $0x80, s25, s31, $0xb8;
	[tilespmem:$0x1E100] =	vst v63  }
0xc2: {  	_ =	swait.ge [sflag:s11], $0x2800  }
0xc3: {  	[sflag:s11] =	ssyncset.done $0x0  }
0xc4: {  	s20 =	rddreg [dreg:$0x7];
	[sflag:s11] =	ssyncadd.s32 $0xFFFFD800  }
0xc5: {  	[tilespmem:s25], [sflag:$0x6] =	stream.linear.gather [hbm4b:s20+s3], $0x50, $0x38;
	[tilespmem:$0x1E100] =	vst v63  }
0xc6: {  	s18 =	simm.s32 $0x26C0  }
0xc7: {  	[tilespmem:s0], [sflag:$0x3] =	stream.indirect.gather [hbm4b:s4+s31], $0x80, s18, s31, $0xb8;
	[tilespmem:$0x1E100] =	vst v63  }
0xc8: {  	_ =	swait.ge [sflag:s13], $0x2800  }
0xc9: {  	[sflag:s13] =	ssyncset.done $0x0  }
0xca: {  	[sflag:s13] =	ssyncadd.s32 $0xFFFFD800  }
0xcb: {  	_ =	swait.ge [sflag:s14], $0x50  }
0xcc: {  	[sflag:s14] =	ssyncset.done $0x0  }
0xcd: {  	[sflag:s14] =	ssyncadd.s32 $0xFFFFFFB0  }
0xce: {  	[spmem:s1] =	stream.indirect.scatter.add.f32 [tilespmem:s2], [sflag:$0xA], $0x80, s26, s31, $0xb8;
	[tilespmem:$0x1E100] =	vst v63  }
0xcf: {  	_ =	swait.ge [sflag:s6], $0x2800  }
0xd0: {  	[sflag:s6] =	ssyncset.done $0x0  }
0xd1: {  	[sflag:s6] =	ssyncadd.s32 $0xFFFFD800  }
0xd2: {  	_ =	swait.ge [sflag:s7], $0x50  }
0xd3: {  	[sflag:s7] =	ssyncset.done $0x0  }
0xd4: {  	[sflag:s7] =	ssyncadd.s32 $0xFFFFFFB0  }
0xd5: {  	[spmem:s1] =	stream.indirect.scatter.add.f32 [tilespmem:s28], [sflag:$0x8], $0x80, s24, s31, $0xb8;
	[tilespmem:$0x1E100] =	vst v63  }
0xd6: {  	_ =	swait.ge [sflag:s9], $0x2800  }
0xd7: {  	[sflag:s9] =	ssyncset.done $0x0  }
0xd8: {  	[sflag:s9] =	ssyncadd.s32 $0xFFFFD800  }
0xd9: {  	_ =	swait.ge [sflag:s10], $0x50  }
0xda: {  	[sflag:s10] =	ssyncset.done $0x0  }
0xdb: {  	[sflag:s10] =	ssyncadd.s32 $0xFFFFFFB0  }
0xdc: {  	[spmem:s1] =	stream.indirect.scatter.add.f32 [tilespmem:s0], [sflag:$0x9], $0x80, s25, s31, $0xb8;
	[tilespmem:$0x1E100] =	vst v63  }
0xdd: {  	_ =	swait.ge [sflag:s15], $0x2800  }
0xde: {  	[sflag:s15] =	ssyncset.done $0x0  }
0xdf: {  	[sflag:s15] =	ssyncadd.s32 $0xFFFFD800  }
0xe0: {  	_ =	swait.ge [sflag:s8], $0x2800  }
0xe1: {  	[sflag:s8] =	ssyncset.done $0x0  }
0xe2: {  	[sflag:s8] =	ssyncadd.s32 $0xFFFFD800  }
0xe3: {  	_ =	swait.ge [sflag:s11], $0x2800  }
0xe4: {  	[sflag:s11] =	ssyncset.done $0x0  }
0xe5: {  	s19 =	stileid.u32;
	[sflag:s11] =	ssyncadd.s32 $0xFFFFD800  }
0xe6: {  	s17 =	sshll.u32 s19, $0x6;
	[bflag:$0x0] =	sbarrier.arrive $0xFFFF  }
0xe7: {  	s17 =	sor.u32 $0x1C0B, s17;
	s18 =	sshrl.u32 s12, $0x3;
	s19 =	rddreg [dreg:$0x8]  }
0xe8: {  	[hbm:s19], [sflag:s17] =	dma.local [spmem:s18], $0x2800  }
0xe9: {  	_ =	swait.ge [sflag:s29], $0x2800  }
0xea: {  	s16 =	sadd.s32 $0x1, s16;
	s20 =	rddreg [dreg:$0x9]  }
0xeb: {  	p0 =	sne.s32 s16, s20  }
.Ltmp2:
0xec: {  	_ = 	snop;
	(pc) =	sbr.rel @p0 .LBB2_1-.Ltmp2, $3  }
0xed: {  	_ =	sdelay $0x1  }
0xee: {  	[sflag:s29] =	ssyncset.done $0x0  }
0xef: {  	[sflag:s29] =	ssyncadd.s32 $0xFFFFD800  }
0xf0: {  	_ =	sfence.sel $0x180000  }
0xf1: {  	[bflag:$0x0] =	sbarrier.arrive $0xFFFF  }
0xf2: {  	_ =	strace $0x9000004A  }
0xf3: {  	s0 =	stileid.u32;
	[bflag:$0x2] =	sbarrier.arrive $0xFFFF  }
0xf4: {  	p0 =	sne.s32 s0, $0x0;
	s0 =	rddreg [dreg:$0x2]  }
0xf5: {  	s0 =	sadd.s32 @!p0 $0x100000, s0  }
0xf6: {  	[sflag:s0] =	ssyncadd.tile.s32 @!p0 $0x1;
	_ =	shalt  }
.Lfunc_end2:
_tile_overlayer_lowered:
.L_overlay_start_2:
0xf7: {  	(tag) =	ssettag $0x2  }
0xf8: {  	s0 =	rddreg [dreg:$0x0];
	s2 =	stileid.u32  }
0xf9: {  	s1 =	rddreg [dreg:$0x1];
	p0 =	sne.s32 s2, $0x0  }
0xfa: {  	s3 =	rddreg [dreg:$0x2];
	[bflag:$0x3] =	sbarrier.arrive $0xFFFF;
	s2 =	simm.s32 @!p0 $0x1C0B  }
0xfb: {  	[timem:s3], [sflag:s2] =	dma.local @!p0 [hbm:s0], s1  }
0xfc: {  	s0 =	simm.s32 @!p0 $0xB  }
0xfd: {  	_ =	swait.ge @!p0 [sflag:s0], s1  }
0xfe: {  	s1 =	ssub.s32 @!p0 $0x0, s1;
	[sflag:s0] =	ssyncset.done @!p0 $0x0  }
0xff: {  	[sflag:s0] =	ssyncadd.s32 @!p0 s1  }
0x100: {  	[bflag:$0x3] =	sbarrier.arrive $0xFFFF  }
0x101: {  	_ =	shalt  }

</sc_bundles>
